<compile_context>
chip_gen: v7x
topology: tpu7x:2x2x1
jax: 0.10.2.dev20260603
libtpu: 0.0.44.dev20260713+nightly
codegen_flags: <defaults>
</compile_context>

<pallas_src>
import functools

import jax
import jax.numpy as jnp
from jax import lax
from jax.experimental import pallas as pl
from jax.experimental.pallas import tpu as pltpu
from jax.experimental.pallas import tpu_sc as plsc

Z_DIM = 4096
IN_DIM = 4103
ROW_STRIDE = 4112
HID = 128
NE = 64
ROWS_PER_W = 8
LOG_PER_W = 4
NEG_HUGE = -3.0e38


def _gate_body(z_hbm, tail_hbm, w1_hbm, b1_hbm, g_hbm, be_hbm, w2_hbm, b2_hbm,
               out_hbm,
               x_v, tail_v, w1_v, hmat, b1_v, g_v, be_v, w2_v, lmat, b2_v,
               out_v, pack_v, shared_h, shared_l, sem):
    c = lax.axis_index("c")
    s = lax.axis_index("s")

    @pl.when(c == 0)
    def _core0():
        iota = lax.iota(jnp.int32, 16)

        descs = [
            pltpu.async_copy(z_hbm.at[0], x_v, sem),
            pltpu.async_copy(tail_hbm, tail_v, sem),
            pltpu.async_copy(b1_hbm, b1_v, sem),
            pltpu.async_copy(g_hbm, g_v, sem),
            pltpu.async_copy(be_hbm, be_v, sem),
            pltpu.async_copy(
                w2_hbm.at[pl.ds(s * LOG_PER_W * HID, LOG_PER_W * HID)], w2_v,
                sem),
        ]
        for r in range(ROWS_PER_W):
            descs.append(
                pltpu.async_copy(w1_hbm.at[s * ROWS_PER_W + r],
                                 w1_v.at[pl.ds(r * ROW_STRIDE, IN_DIM)], sem))

        @pl.when(s == 0)
        def _fire_b2():
            pltpu.async_copy(b2_hbm, b2_v, sem).wait()

        for d in descs:
            d.wait()

        @plsc.parallel_loop(
            0, Z_DIM // 64, unroll=2,
            carry=tuple(jnp.zeros((16,), jnp.float32)
                        for _ in range(ROWS_PER_W)))
        def accs(j, accs):
            base = pl.multiple_of(j * 64, 64)
            new = list(accs)
            for u in range(4):
                off = base + u * 16
                xc = x_v[pl.ds(off, 16)]
                for r in range(ROWS_PER_W):
                    new[r] = new[r] + xc * w1_v[pl.ds(r * ROW_STRIDE + off, 16)]
            return tuple(new)

        tmask = iota < 7
        xc_t = jnp.where(tmask, tail_v[...], 0.0)
        accs = list(accs)
        for r in range(ROWS_PER_W):
            wc = jnp.where(tmask, w1_v[pl.ds(r * ROW_STRIDE + Z_DIM, 16)], 0.0)
            accs[r] = accs[r] + xc_t * wc

        hvec = jnp.zeros((16,), jnp.float32)
        for r in range(ROWS_PER_W):
            hr = jnp.sum(accs[r])
            hvec = jnp.where(iota == r, hr, hvec)
        pack_v[...] = hvec
        pltpu.sync_copy(pack_v, shared_h.at[pl.ds(s * 16, 16)])
        plsc.subcore_barrier()

        pltpu.sync_copy(shared_h, hmat)
        a = plsc.load_gather(tail_v, [jnp.full((16,), 7, jnp.int32)])
        gidx = (iota >> 3) * 16 + (iota & 7)
        hs = []
        tot = jnp.float32(0.0)
        for k in range(HID // 16):
            hk = plsc.load_gather(hmat, [2 * 16 * k + gidx])
            hk = hk + b1_v[pl.ds(16 * k, 16)]
            hk = jnp.where(hk >= 0.0, hk, a * hk)
            hs.append(hk)
            tot = tot + jnp.sum(hk)
        mean = tot * jnp.float32(1.0 / HID)
        var = jnp.float32(0.0)
        cs = []
        for k in range(HID // 16):
            ck = hs[k] - mean
            cs.append(ck)
            var = var + jnp.sum(ck * ck)
        var = var * jnp.float32(1.0 / HID)
        xb = lax.broadcast_in_dim(var + 1e-5, (16,), ())
        yi = 0x5F3759DF - lax.shift_right_logical(
            lax.bitcast_convert_type(xb, jnp.int32), 1)
        y = lax.bitcast_convert_type(yi, jnp.float32)
        for _ in range(4):
            y = y * (1.5 - 0.5 * xb * y * y)
        ns = []
        for k in range(HID // 16):
            ns.append(cs[k] * y * g_v[pl.ds(16 * k, 16)]
                      + be_v[pl.ds(16 * k, 16)])

        lvec = jnp.zeros((16,), jnp.float32)
        for r in range(LOG_PER_W):
            acc = jnp.zeros((16,), jnp.float32)
            for k in range(HID // 16):
                acc = acc + ns[k] * w2_v[pl.ds(r * HID + 16 * k, 16)]
            lr = jnp.sum(acc)
            lvec = jnp.where(iota == r, lr, lvec)
        pack_v[...] = lvec
        pltpu.sync_copy(pack_v, shared_l.at[pl.ds(s * 16, 16)])
        plsc.subcore_barrier()

        @pl.when(s == 0)
        def _tail():
            pltpu.sync_copy(shared_l, lmat)
            lidx = (iota >> 2) * 16 + (iota & 3)
            ls = []
            for k in range(NE // 16):
                lk = (plsc.load_gather(lmat, [4 * 16 * k + lidx])
                      + b2_v[pl.ds(16 * k, 16)])
                ls.append(lk)
            m = jnp.maximum(jnp.maximum(ls[0], ls[1]),
                            jnp.maximum(ls[2], ls[3]))
            m1 = jnp.max(m)
            m1v = lax.broadcast_in_dim(m1, (16,), ())
            cnt = jnp.zeros((16,), jnp.int32)
            m2p = lax.broadcast_in_dim(jnp.float32(NEG_HUGE), (16,), ())
            for k in range(NE // 16):
                is_max = ls[k] == m1v
                cnt = cnt + plsc.all_reduce_population_count(is_max)
                m2p = jnp.maximum(m2p, jnp.where(is_max, NEG_HUGE, ls[k]))
            m2s = jnp.max(m2p)
            m2v = jnp.where(cnt >= 2, m1v,
                            lax.broadcast_in_dim(m2s, (16,), ()))
            z = jnp.float32(0.0)
            es = []
            for k in range(NE // 16):
                ek = jnp.where(ls[k] >= m2v, jnp.exp(ls[k] - m1v), 0.0)
                es.append(ek)
                z = z + jnp.sum(ek)
            zv = lax.broadcast_in_dim(z, (16,), ())
            for k in range(NE // 16):
                out_v[pl.ds(16 * k, 16)] = es[k] / zv
            pltpu.sync_copy(out_v, out_hbm.at[0])


_sc_gate = functools.partial(
    pl.kernel,
    out_type=jax.ShapeDtypeStruct((1, NE), jnp.float32),
    mesh=plsc.VectorSubcoreMesh(core_axis_name="c", subcore_axis_name="s",
                                num_cores=1),
    compiler_params=pltpu.CompilerParams(needs_layout_passes=False,
                                         use_tc_tiling_on_sc=False),
    scratch_types=[
        pltpu.VMEM((Z_DIM,), jnp.float32),
        pltpu.VMEM((16,), jnp.float32),
        pltpu.VMEM((ROWS_PER_W * ROW_STRIDE,), jnp.float32),
        pltpu.VMEM((16 * 16,), jnp.float32),
        pltpu.VMEM((HID,), jnp.float32),
        pltpu.VMEM((HID,), jnp.float32),
        pltpu.VMEM((HID,), jnp.float32),
        pltpu.VMEM((LOG_PER_W * HID,), jnp.float32),
        pltpu.VMEM((16 * 16,), jnp.float32),
        pltpu.VMEM((NE,), jnp.float32),
        pltpu.VMEM((NE,), jnp.float32),
        pltpu.VMEM((16,), jnp.float32),
        pltpu.VMEM_SHARED((16 * 16,), jnp.float32),
        pltpu.VMEM_SHARED((16 * 16,), jnp.float32),
        pltpu.SemaphoreType.DMA,
    ],
)(_gate_body)


def kernel(z_refined, trust_form, trust_role, cross_floor_jaccard,
           W1, b1, prelu_a, gamma, beta, W2, b2):
    tail16 = jnp.concatenate([
        trust_form, trust_role, cross_floor_jaccard,
        prelu_a.astype(jnp.float32), jnp.zeros((8,), jnp.float32)])
    return _sc_gate(z_refined, tail16, W1, b1, gamma, beta,
                    W2.reshape(NE * HID), b2)

# --- scband reference (transcript-rebuilt; emitter-appended) ---
"""Pipeline reference for scband-multiplex-mo-egate-34565896798430 (READ-ONLY COPY).

The authoritative reference and input builder live on the scoring server;
editing this copy changes nothing except your own understanding.
"""

import jax, jax.numpy as jnp
import numpy as np

PROTEIN_DIM = 4096
HIDDEN_DIM = 128
NUM_EXPERTS = 64
TOP_K = 2


def setup_inputs(seed: int = 0) -> dict:
    key = jax.random.key(seed)
    ks = jax.random.split(key, 8)
    in_dim = PROTEIN_DIM + 7
    z_refined = jax.random.normal(ks[0], (1, PROTEIN_DIM), dtype=jnp.float32)
    trust_form = jax.random.uniform(ks[1], (3,), dtype=jnp.float32)
    trust_role = jax.random.uniform(ks[2], (3,), dtype=jnp.float32)
    cross_floor_jaccard = jax.random.uniform(ks[3], (1,), dtype=jnp.float32)
    lim1 = 1.0 / np.sqrt(in_dim)
    W1 = jax.random.uniform(ks[4], (HIDDEN_DIM, in_dim), minval=-lim1, maxval=lim1, dtype=jnp.float32)
    b1 = jax.random.uniform(ks[5], (HIDDEN_DIM,), minval=-lim1, maxval=lim1, dtype=jnp.float32)
    prelu_a = jnp.full((1,), 0.25, dtype=jnp.float32)
    gamma = jnp.ones((HIDDEN_DIM,), dtype=jnp.float32)
    beta = jnp.zeros((HIDDEN_DIM,), dtype=jnp.float32)
    lim2 = 1.0 / np.sqrt(HIDDEN_DIM)
    W2 = jax.random.uniform(ks[6], (NUM_EXPERTS, HIDDEN_DIM), minval=-lim2, maxval=lim2, dtype=jnp.float32)
    b2 = jax.random.uniform(ks[7], (NUM_EXPERTS,), minval=-lim2, maxval=lim2, dtype=jnp.float32)
    return {
        "z_refined": z_refined,
        "trust_form": trust_form,
        "trust_role": trust_role,
        "cross_floor_jaccard": cross_floor_jaccard,
        "W1": W1, "b1": b1, "prelu_a": prelu_a,
        "gamma": gamma, "beta": beta,
        "W2": W2, "b2": b2,
    }


def reference(z_refined, trust_form, trust_role, cross_floor_jaccard, W1, b1, prelu_a, gamma, beta, W2, b2):
    gate_input = jnp.concatenate(
        [z_refined, trust_form.reshape(1, -1), trust_role.reshape(1, -1), cross_floor_jaccard.reshape(1, 1)],
        axis=-1,
    )
    # Linear 1
    h = gate_input @ W1.T + b1
    # PReLU (single shared slope, torch default num_parameters=1)
    h = jnp.where(h >= 0, h, prelu_a * h)
    # LayerNorm (eps=1e-5, elementwise affine)
    mean = jnp.mean(h, axis=-1, keepdims=True)
    var = jnp.var(h, axis=-1, keepdims=True)
    h = (h - mean) / jnp.sqrt(var + 1e-5) * gamma + beta
    # Linear 2 -> expert logits
    logits = h @ W2.T + b2
    k = min(TOP_K, logits.shape[-1])
    if k < logits.shape[-1]:
        top_vals, top_idx = jax.lax.top_k(logits, k)
        sparse_logits = jnp.full_like(logits, -jnp.inf)
        rows = jnp.arange(logits.shape[0])[:, None]
        sparse_logits = sparse_logits.at[rows, top_idx].set(top_vals)
        logits = sparse_logits
    return jax.nn.softmax(logits, axis=-1)

if __name__ == "__main__":
    import jax
    _d = setup_inputs()
    print(jax.jit(kernel)(*tuple(_d.values())))

</pallas_src>

<mosaic_0001>
#map = affine_map<(d0, d1) -> (0, 0)>
#map1 = affine_map<(d0, d1) -> (0)>
module attributes {stable_mosaic.version = 14 : i64} {
  func.func @_gate_body(%arg0: i32, %arg1: i32, %arg2: memref<1x4096xf32, #tpu.memory_space<hbm>>, %arg3: memref<16xf32, #tpu.memory_space<hbm>>, %arg4: memref<128x4103xf32, #tpu.memory_space<hbm>>, %arg5: memref<128xf32, #tpu.memory_space<hbm>>, %arg6: memref<128xf32, #tpu.memory_space<hbm>>, %arg7: memref<128xf32, #tpu.memory_space<hbm>>, %arg8: memref<8192xf32, #tpu.memory_space<hbm>>, %arg9: memref<64xf32, #tpu.memory_space<hbm>>, %arg10: memref<1x64xf32, #tpu.memory_space<hbm>>, %arg11: memref<4096xf32, #tpu.memory_space<vmem>>, %arg12: memref<16xf32, #tpu.memory_space<vmem>>, %arg13: memref<32896xf32, #tpu.memory_space<vmem>>, %arg14: memref<256xf32, #tpu.memory_space<vmem>>, %arg15: memref<128xf32, #tpu.memory_space<vmem>>, %arg16: memref<128xf32, #tpu.memory_space<vmem>>, %arg17: memref<128xf32, #tpu.memory_space<vmem>>, %arg18: memref<512xf32, #tpu.memory_space<vmem>>, %arg19: memref<256xf32, #tpu.memory_space<vmem>>, %arg20: memref<64xf32, #tpu.memory_space<vmem>>, %arg21: memref<64xf32, #tpu.memory_space<vmem>>, %arg22: memref<16xf32, #tpu.memory_space<vmem>>, %arg23: memref<256xf32, #tpu.memory_space<vmem_shared>>, %arg24: memref<256xf32, #tpu.memory_space<vmem_shared>>, %arg25: memref<!tpu.dma_semaphore, #tpu.memory_space<semaphore_mem>>) attributes {dimension_semantics = [#tpu.dimension_semantics<core_parallel>, #tpu.dimension_semantics<subcore_parallel>], iteration_bounds = array<i64: 1, 16>, scalar_prefetch = 0 : i64, scratch_operands = 15 : i64, tpu.core_type = #tpu.core_type<sc_vector_subcore>, window_params = [{transform_indices = #map}, {transform_indices = #map1}, {transform_indices = #map}, {transform_indices = #map1}, {transform_indices = #map1}, {transform_indices = #map1}, {transform_indices = #map1}, {transform_indices = #map1}, {transform_indices = #map}]} {
    %eq3A = arith.constant 0 : i32
    %eq3A_0 = arith.cmpi eq, %arg0, %eq3A : i32
    %convert_element_type3A = arith.extui %eq3A_0 : i1 to i32
    %cond3A = arith.constant 0 : i32
    %cond3A_1 = arith.cmpi ne, %convert_element_type3A, %cond3A : i32
    scf.if %cond3A_1 {
      %iota3A = tpu.iota {dimensions = array<i32: 0>} : vector<16xi32>
      %dma_start3A = arith.constant 0 : i32
      %dma_start3A_2 = arith.constant 0 : i32
      %dma_start3A_3 = tpu.memref_slice %arg2[%dma_start3A, %dma_start3A_2] : memref<1x4096xf32, #tpu.memory_space<hbm>> -> memref<1x4096xf32, #tpu.memory_space<hbm>>
      %dma_start3A_4 = tpu.memref_squeeze %dma_start3A_3 : memref<1x4096xf32, #tpu.memory_space<hbm>> -> memref<4096xf32, #tpu.memory_space<hbm>>
      %dma_start3A_5 = arith.constant 0 : i32
      %dma_start3A_6 = tpu.memref_slice %arg2[%dma_start3A, %dma_start3A_5] : memref<1x4096xf32, #tpu.memory_space<hbm>> -> memref<1x4096xf32, #tpu.memory_space<hbm>>
      %dma_start3A_7 = tpu.memref_squeeze %dma_start3A_6 : memref<1x4096xf32, #tpu.memory_space<hbm>> -> memref<4096xf32, #tpu.memory_space<hbm>>
      tpu.enqueue_dma source(%dma_start3A_7 : memref<4096xf32, #tpu.memory_space<hbm>>) target(%arg11 : memref<4096xf32, #tpu.memory_space<vmem>>) target_semaphore(%arg25 : memref<!tpu.dma_semaphore, #tpu.memory_space<semaphore_mem>>)
      tpu.enqueue_dma source(%arg3 : memref<16xf32, #tpu.memory_space<hbm>>) target(%arg12 : memref<16xf32, #tpu.memory_space<vmem>>) target_semaphore(%arg25 : memref<!tpu.dma_semaphore, #tpu.memory_space<semaphore_mem>>)
      tpu.enqueue_dma source(%arg5 : memref<128xf32, #tpu.memory_space<hbm>>) target(%arg15 : memref<128xf32, #tpu.memory_space<vmem>>) target_semaphore(%arg25 : memref<!tpu.dma_semaphore, #tpu.memory_space<semaphore_mem>>)
      tpu.enqueue_dma source(%arg6 : memref<128xf32, #tpu.memory_space<hbm>>) target(%arg16 : memref<128xf32, #tpu.memory_space<vmem>>) target_semaphore(%arg25 : memref<!tpu.dma_semaphore, #tpu.memory_space<semaphore_mem>>)
      tpu.enqueue_dma source(%arg7 : memref<128xf32, #tpu.memory_space<hbm>>) target(%arg17 : memref<128xf32, #tpu.memory_space<vmem>>) target_semaphore(%arg25 : memref<!tpu.dma_semaphore, #tpu.memory_space<semaphore_mem>>)
      %mul3A = arith.constant 4 : i32
      %mul3A_8 = arith.muli %arg1, %mul3A : i32
      %mul3A_9 = arith.constant 128 : i32
      %mul3A_10 = arith.muli %mul3A_8, %mul3A_9 : i32
      %dma_start3A_11 = tpu.memref_slice %arg8[%mul3A_10] : memref<8192xf32, #tpu.memory_space<hbm>> -> memref<512xf32, #tpu.memory_space<hbm>>
      %dma_start3A_12 = tpu.memref_slice %arg8[%mul3A_10] : memref<8192xf32, #tpu.memory_space<hbm>> -> memref<512xf32, #tpu.memory_space<hbm>>
      tpu.enqueue_dma source(%dma_start3A_12 : memref<512xf32, #tpu.memory_space<hbm>>) target(%arg18 : memref<512xf32, #tpu.memory_space<vmem>>) target_semaphore(%arg25 : memref<!tpu.dma_semaphore, #tpu.memory_space<semaphore_mem>>)
      %mul3A_13 = arith.constant 8 : i32
      %mul3A_14 = arith.muli %arg1, %mul3A_13 : i32
      %add3A = arith.constant 0 : i32
      %add3A_15 = arith.addi %mul3A_14, %add3A : i32
      %dma_start3A_16 = arith.constant 0 : i32
      %dma_start3A_17 = tpu.memref_slice %arg13[%dma_start3A_16] : memref<32896xf32, #tpu.memory_space<vmem>> -> memref<4103xf32, #tpu.memory_space<vmem>>
      %dma_start3A_18 = arith.constant 0 : i32
      %dma_start3A_19 = tpu.memref_slice %arg4[%add3A_15, %dma_start3A_18] : memref<128x4103xf32, #tpu.memory_space<hbm>> -> memref<1x4103xf32, #tpu.memory_space<hbm>>
      %dma_start3A_20 = tpu.memref_squeeze %dma_start3A_19 : memref<1x4103xf32, #tpu.memory_space<hbm>> -> memref<4103xf32, #tpu.memory_space<hbm>>
      %dma_start3A_21 = arith.constant 0 : i32
      %dma_start3A_22 = tpu.memref_slice %arg13[%dma_start3A_21] : memref<32896xf32, #tpu.memory_space<vmem>> -> memref<4103xf32, #tpu.memory_space<vmem>>
      %dma_start3A_23 = arith.constant 0 : i32
      %dma_start3A_24 = tpu.memref_slice %arg4[%add3A_15, %dma_start3A_23] : memref<128x4103xf32, #tpu.memory_space<hbm>> -> memref<1x4103xf32, #tpu.memory_space<hbm>>
      %dma_start3A_25 = tpu.memref_squeeze %dma_start3A_24 : memref<1x4103xf32, #tpu.memory_space<hbm>> -> memref<4103xf32, #tpu.memory_space<hbm>>
      tpu.enqueue_dma source(%dma_start3A_25 : memref<4103xf32, #tpu.memory_space<hbm>>) target(%dma_start3A_22 : memref<4103xf32, #tpu.memory_space<vmem>>) target_semaphore(%arg25 : memref<!tpu.dma_semaphore, #tpu.memory_space<semaphore_mem>>)
      %mul3A_26 = arith.constant 8 : i32
      %mul3A_27 = arith.muli %arg1, %mul3A_26 : i32
      %add3A_28 = arith.constant 1 : i32
      %add3A_29 = arith.addi %mul3A_27, %add3A_28 : i32
      %dma_start3A_30 = arith.constant 4112 : i32
      %dma_start3A_31 = tpu.memref_slice %arg13[%dma_start3A_30] : memref<32896xf32, #tpu.memory_space<vmem>> -> memref<4103xf32, #tpu.memory_space<vmem>>
      %dma_start3A_32 = arith.constant 0 : i32
      %dma_start3A_33 = tpu.memref_slice %arg4[%add3A_29, %dma_start3A_32] : memref<128x4103xf32, #tpu.memory_space<hbm>> -> memref<1x4103xf32, #tpu.memory_space<hbm>>
      %dma_start3A_34 = tpu.memref_squeeze %dma_start3A_33 : memref<1x4103xf32, #tpu.memory_space<hbm>> -> memref<4103xf32, #tpu.memory_space<hbm>>
      %dma_start3A_35 = arith.constant 4112 : i32
      %dma_start3A_36 = tpu.memref_slice %arg13[%dma_start3A_35] : memref<32896xf32, #tpu.memory_space<vmem>> -> memref<4103xf32, #tpu.memory_space<vmem>>
      %dma_start3A_37 = arith.constant 0 : i32
      %dma_start3A_38 = tpu.memref_slice %arg4[%add3A_29, %dma_start3A_37] : memref<128x4103xf32, #tpu.memory_space<hbm>> -> memref<1x4103xf32, #tpu.memory_space<hbm>>
      %dma_start3A_39 = tpu.memref_squeeze %dma_start3A_38 : memref<1x4103xf32, #tpu.memory_space<hbm>> -> memref<4103xf32, #tpu.memory_space<hbm>>
      tpu.enqueue_dma source(%dma_start3A_39 : memref<4103xf32, #tpu.memory_space<hbm>>) target(%dma_start3A_36 : memref<4103xf32, #tpu.memory_space<vmem>>) target_semaphore(%arg25 : memref<!tpu.dma_semaphore, #tpu.memory_space<semaphore_mem>>)
      %mul3A_40 = arith.constant 8 : i32
      %mul3A_41 = arith.muli %arg1, %mul3A_40 : i32
      %add3A_42 = arith.constant 2 : i32
      %add3A_43 = arith.addi %mul3A_41, %add3A_42 : i32
      %dma_start3A_44 = arith.constant 8224 : i32
      %dma_start3A_45 = tpu.memref_slice %arg13[%dma_start3A_44] : memref<32896xf32, #tpu.memory_space<vmem>> -> memref<4103xf32, #tpu.memory_space<vmem>>
      %dma_start3A_46 = arith.constant 0 : i32
      %dma_start3A_47 = tpu.memref_slice %arg4[%add3A_43, %dma_start3A_46] : memref<128x4103xf32, #tpu.memory_space<hbm>> -> memref<1x4103xf32, #tpu.memory_space<hbm>>
      %dma_start3A_48 = tpu.memref_squeeze %dma_start3A_47 : memref<1x4103xf32, #tpu.memory_space<hbm>> -> memref<4103xf32, #tpu.memory_space<hbm>>
      %dma_start3A_49 = arith.constant 8224 : i32
      %dma_start3A_50 = tpu.memref_slice %arg13[%dma_start3A_49] : memref<32896xf32, #tpu.memory_space<vmem>> -> memref<4103xf32, #tpu.memory_space<vmem>>
      %dma_start3A_51 = arith.constant 0 : i32
      %dma_start3A_52 = tpu.memref_slice %arg4[%add3A_43, %dma_start3A_51] : memref<128x4103xf32, #tpu.memory_space<hbm>> -> memref<1x4103xf32, #tpu.memory_space<hbm>>
      %dma_start3A_53 = tpu.memref_squeeze %dma_start3A_52 : memref<1x4103xf32, #tpu.memory_space<hbm>> -> memref<4103xf32, #tpu.memory_space<hbm>>
      tpu.enqueue_dma source(%dma_start3A_53 : memref<4103xf32, #tpu.memory_space<hbm>>) target(%dma_start3A_50 : memref<4103xf32, #tpu.memory_space<vmem>>) target_semaphore(%arg25 : memref<!tpu.dma_semaphore, #tpu.memory_space<semaphore_mem>>)
      %mul3A_54 = arith.constant 8 : i32
      %mul3A_55 = arith.muli %arg1, %mul3A_54 : i32
      %add3A_56 = arith.constant 3 : i32
      %add3A_57 = arith.addi %mul3A_55, %add3A_56 : i32
      %dma_start3A_58 = arith.constant 12336 : i32
      %dma_start3A_59 = tpu.memref_slice %arg13[%dma_start3A_58] : memref<32896xf32, #tpu.memory_space<vmem>> -> memref<4103xf32, #tpu.memory_space<vmem>>
      %dma_start3A_60 = arith.constant 0 : i32
      %dma_start3A_61 = tpu.memref_slice %arg4[%add3A_57, %dma_start3A_60] : memref<128x4103xf32, #tpu.memory_space<hbm>> -> memref<1x4103xf32, #tpu.memory_space<hbm>>
      %dma_start3A_62 = tpu.memref_squeeze %dma_start3A_61 : memref<1x4103xf32, #tpu.memory_space<hbm>> -> memref<4103xf32, #tpu.memory_space<hbm>>
      %dma_start3A_63 = arith.constant 12336 : i32
      %dma_start3A_64 = tpu.memref_slice %arg13[%dma_start3A_63] : memref<32896xf32, #tpu.memory_space<vmem>> -> memref<4103xf32, #tpu.memory_space<vmem>>
      %dma_start3A_65 = arith.constant 0 : i32
      %dma_start3A_66 = tpu.memref_slice %arg4[%add3A_57, %dma_start3A_65] : memref<128x4103xf32, #tpu.memory_space<hbm>> -> memref<1x4103xf32, #tpu.memory_space<hbm>>
      %dma_start3A_67 = tpu.memref_squeeze %dma_start3A_66 : memref<1x4103xf32, #tpu.memory_space<hbm>> -> memref<4103xf32, #tpu.memory_space<hbm>>
      tpu.enqueue_dma source(%dma_start3A_67 : memref<4103xf32, #tpu.memory_space<hbm>>) target(%dma_start3A_64 : memref<4103xf32, #tpu.memory_space<vmem>>) target_semaphore(%arg25 : memref<!tpu.dma_semaphore, #tpu.memory_space<semaphore_mem>>)
      %mul3A_68 = arith.constant 8 : i32
      %mul3A_69 = arith.muli %arg1, %mul3A_68 : i32
      %add3A_70 = arith.constant 4 : i32
      %add3A_71 = arith.addi %mul3A_69, %add3A_70 : i32
      %dma_start3A_72 = arith.constant 16448 : i32
      %dma_start3A_73 = tpu.memref_slice %arg13[%dma_start3A_72] : memref<32896xf32, #tpu.memory_space<vmem>> -> memref<4103xf32, #tpu.memory_space<vmem>>
      %dma_start3A_74 = arith.constant 0 : i32
      %dma_start3A_75 = tpu.memref_slice %arg4[%add3A_71, %dma_start3A_74] : memref<128x4103xf32, #tpu.memory_space<hbm>> -> memref<1x4103xf32, #tpu.memory_space<hbm>>
      %dma_start3A_76 = tpu.memref_squeeze %dma_start3A_75 : memref<1x4103xf32, #tpu.memory_space<hbm>> -> memref<4103xf32, #tpu.memory_space<hbm>>
      %dma_start3A_77 = arith.constant 16448 : i32
      %dma_start3A_78 = tpu.memref_slice %arg13[%dma_start3A_77] : memref<32896xf32, #tpu.memory_space<vmem>> -> memref<4103xf32, #tpu.memory_space<vmem>>
      %dma_start3A_79 = arith.constant 0 : i32
      %dma_start3A_80 = tpu.memref_slice %arg4[%add3A_71, %dma_start3A_79] : memref<128x4103xf32, #tpu.memory_space<hbm>> -> memref<1x4103xf32, #tpu.memory_space<hbm>>
      %dma_start3A_81 = tpu.memref_squeeze %dma_start3A_80 : memref<1x4103xf32, #tpu.memory_space<hbm>> -> memref<4103xf32, #tpu.memory_space<hbm>>
      tpu.enqueue_dma source(%dma_start3A_81 : memref<4103xf32, #tpu.memory_space<hbm>>) target(%dma_start3A_78 : memref<4103xf32, #tpu.memory_space<vmem>>) target_semaphore(%arg25 : memref<!tpu.dma_semaphore, #tpu.memory_space<semaphore_mem>>)
      %mul3A_82 = arith.constant 8 : i32
      %mul3A_83 = arith.muli %arg1, %mul3A_82 : i32
      %add3A_84 = arith.constant 5 : i32
      %add3A_85 = arith.addi %mul3A_83, %add3A_84 : i32
      %dma_start3A_86 = arith.constant 20560 : i32
      %dma_start3A_87 = tpu.memref_slice %arg13[%dma_start3A_86] : memref<32896xf32, #tpu.memory_space<vmem>> -> memref<4103xf32, #tpu.memory_space<vmem>>
      %dma_start3A_88 = arith.constant 0 : i32
      %dma_start3A_89 = tpu.memref_slice %arg4[%add3A_85, %dma_start3A_88] : memref<128x4103xf32, #tpu.memory_space<hbm>> -> memref<1x4103xf32, #tpu.memory_space<hbm>>
      %dma_start3A_90 = tpu.memref_squeeze %dma_start3A_89 : memref<1x4103xf32, #tpu.memory_space<hbm>> -> memref<4103xf32, #tpu.memory_space<hbm>>
      %dma_start3A_91 = arith.constant 20560 : i32
      %dma_start3A_92 = tpu.memref_slice %arg13[%dma_start3A_91] : memref<32896xf32, #tpu.memory_space<vmem>> -> memref<4103xf32, #tpu.memory_space<vmem>>
      %dma_start3A_93 = arith.constant 0 : i32
      %dma_start3A_94 = tpu.memref_slice %arg4[%add3A_85, %dma_start3A_93] : memref<128x4103xf32, #tpu.memory_space<hbm>> -> memref<1x4103xf32, #tpu.memory_space<hbm>>
      %dma_start3A_95 = tpu.memref_squeeze %dma_start3A_94 : memref<1x4103xf32, #tpu.memory_space<hbm>> -> memref<4103xf32, #tpu.memory_space<hbm>>
      tpu.enqueue_dma source(%dma_start3A_95 : memref<4103xf32, #tpu.memory_space<hbm>>) target(%dma_start3A_92 : memref<4103xf32, #tpu.memory_space<vmem>>) target_semaphore(%arg25 : memref<!tpu.dma_semaphore, #tpu.memory_space<semaphore_mem>>)
      %mul3A_96 = arith.constant 8 : i32
      %mul3A_97 = arith.muli %arg1, %mul3A_96 : i32
      %add3A_98 = arith.constant 6 : i32
      %add3A_99 = arith.addi %mul3A_97, %add3A_98 : i32
      %dma_start3A_100 = arith.constant 24672 : i32
      %dma_start3A_101 = tpu.memref_slice %arg13[%dma_start3A_100] : memref<32896xf32, #tpu.memory_space<vmem>> -> memref<4103xf32, #tpu.memory_space<vmem>>
      %dma_start3A_102 = arith.constant 0 : i32
      %dma_start3A_103 = tpu.memref_slice %arg4[%add3A_99, %dma_start3A_102] : memref<128x4103xf32, #tpu.memory_space<hbm>> -> memref<1x4103xf32, #tpu.memory_space<hbm>>
      %dma_start3A_104 = tpu.memref_squeeze %dma_start3A_103 : memref<1x4103xf32, #tpu.memory_space<hbm>> -> memref<4103xf32, #tpu.memory_space<hbm>>
      %dma_start3A_105 = arith.constant 24672 : i32
      %dma_start3A_106 = tpu.memref_slice %arg13[%dma_start3A_105] : memref<32896xf32, #tpu.memory_space<vmem>> -> memref<4103xf32, #tpu.memory_space<vmem>>
      %dma_start3A_107 = arith.constant 0 : i32
      %dma_start3A_108 = tpu.memref_slice %arg4[%add3A_99, %dma_start3A_107] : memref<128x4103xf32, #tpu.memory_space<hbm>> -> memref<1x4103xf32, #tpu.memory_space<hbm>>
      %dma_start3A_109 = tpu.memref_squeeze %dma_start3A_108 : memref<1x4103xf32, #tpu.memory_space<hbm>> -> memref<4103xf32, #tpu.memory_space<hbm>>
      tpu.enqueue_dma source(%dma_start3A_109 : memref<4103xf32, #tpu.memory_space<hbm>>) target(%dma_start3A_106 : memref<4103xf32, #tpu.memory_space<vmem>>) target_semaphore(%arg25 : memref<!tpu.dma_semaphore, #tpu.memory_space<semaphore_mem>>)
      %mul3A_110 = arith.constant 8 : i32
      %mul3A_111 = arith.muli %arg1, %mul3A_110 : i32
      %add3A_112 = arith.constant 7 : i32
      %add3A_113 = arith.addi %mul3A_111, %add3A_112 : i32
      %dma_start3A_114 = arith.constant 28784 : i32
      %dma_start3A_115 = tpu.memref_slice %arg13[%dma_start3A_114] : memref<32896xf32, #tpu.memory_space<vmem>> -> memref<4103xf32, #tpu.memory_space<vmem>>
      %dma_start3A_116 = arith.constant 0 : i32
      %dma_start3A_117 = tpu.memref_slice %arg4[%add3A_113, %dma_start3A_116] : memref<128x4103xf32, #tpu.memory_space<hbm>> -> memref<1x4103xf32, #tpu.memory_space<hbm>>
      %dma_start3A_118 = tpu.memref_squeeze %dma_start3A_117 : memref<1x4103xf32, #tpu.memory_space<hbm>> -> memref<4103xf32, #tpu.memory_space<hbm>>
      %dma_start3A_119 = arith.constant 28784 : i32
      %dma_start3A_120 = tpu.memref_slice %arg13[%dma_start3A_119] : memref<32896xf32, #tpu.memory_space<vmem>> -> memref<4103xf32, #tpu.memory_space<vmem>>
      %dma_start3A_121 = arith.constant 0 : i32
      %dma_start3A_122 = tpu.memref_slice %arg4[%add3A_113, %dma_start3A_121] : memref<128x4103xf32, #tpu.memory_space<hbm>> -> memref<1x4103xf32, #tpu.memory_space<hbm>>
      %dma_start3A_123 = tpu.memref_squeeze %dma_start3A_122 : memref<1x4103xf32, #tpu.memory_space<hbm>> -> memref<4103xf32, #tpu.memory_space<hbm>>
      tpu.enqueue_dma source(%dma_start3A_123 : memref<4103xf32, #tpu.memory_space<hbm>>) target(%dma_start3A_120 : memref<4103xf32, #tpu.memory_space<vmem>>) target_semaphore(%arg25 : memref<!tpu.dma_semaphore, #tpu.memory_space<semaphore_mem>>)
      %eq3A_124 = arith.constant 0 : i32
      %eq3A_125 = arith.cmpi eq, %arg1, %eq3A_124 : i32
      %convert_element_type3A_126 = arith.extui %eq3A_125 : i1 to i32
      %cond3A_127 = arith.constant 0 : i32
      %cond3A_128 = arith.cmpi ne, %convert_element_type3A_126, %cond3A_127 : i32
      scf.if %cond3A_128 {
        tpu.enqueue_dma source(%arg9 : memref<64xf32, #tpu.memory_space<hbm>>) target(%arg20 : memref<64xf32, #tpu.memory_space<vmem>>) target_semaphore(%arg25 : memref<!tpu.dma_semaphore, #tpu.memory_space<semaphore_mem>>)
        tpu.wait_dma2 semaphore(%arg25 : memref<!tpu.dma_semaphore, #tpu.memory_space<semaphore_mem>>) src(%arg9 : memref<64xf32, #tpu.memory_space<hbm>>) dst(%arg20 : memref<64xf32, #tpu.memory_space<vmem>>)
      } else {
      }
      %dma_wait3A = arith.constant 0 : i32
      %dma_wait3A_129 = arith.constant 0 : i32
      %dma_wait3A_130 = tpu.memref_slice %arg2[%dma_wait3A, %dma_wait3A_129] : memref<1x4096xf32, #tpu.memory_space<hbm>> -> memref<1x4096xf32, #tpu.memory_space<hbm>>
      %dma_wait3A_131 = tpu.memref_squeeze %dma_wait3A_130 : memref<1x4096xf32, #tpu.memory_space<hbm>> -> memref<4096xf32, #tpu.memory_space<hbm>>
      %dma_wait3A_132 = arith.constant 0 : i32
      %dma_wait3A_133 = tpu.memref_slice %arg2[%dma_wait3A, %dma_wait3A_132] : memref<1x4096xf32, #tpu.memory_space<hbm>> -> memref<1x4096xf32, #tpu.memory_space<hbm>>
      %dma_wait3A_134 = tpu.memref_squeeze %dma_wait3A_133 : memref<1x4096xf32, #tpu.memory_space<hbm>> -> memref<4096xf32, #tpu.memory_space<hbm>>
      tpu.wait_dma2 semaphore(%arg25 : memref<!tpu.dma_semaphore, #tpu.memory_space<semaphore_mem>>) src(%dma_wait3A_134 : memref<4096xf32, #tpu.memory_space<hbm>>) dst(%arg11 : memref<4096xf32, #tpu.memory_space<vmem>>)
      tpu.wait_dma2 semaphore(%arg25 : memref<!tpu.dma_semaphore, #tpu.memory_space<semaphore_mem>>) src(%arg3 : memref<16xf32, #tpu.memory_space<hbm>>) dst(%arg12 : memref<16xf32, #tpu.memory_space<vmem>>)
      tpu.wait_dma2 semaphore(%arg25 : memref<!tpu.dma_semaphore, #tpu.memory_space<semaphore_mem>>) src(%arg5 : memref<128xf32, #tpu.memory_space<hbm>>) dst(%arg15 : memref<128xf32, #tpu.memory_space<vmem>>)
      tpu.wait_dma2 semaphore(%arg25 : memref<!tpu.dma_semaphore, #tpu.memory_space<semaphore_mem>>) src(%arg6 : memref<128xf32, #tpu.memory_space<hbm>>) dst(%arg16 : memref<128xf32, #tpu.memory_space<vmem>>)
      tpu.wait_dma2 semaphore(%arg25 : memref<!tpu.dma_semaphore, #tpu.memory_space<semaphore_mem>>) src(%arg7 : memref<128xf32, #tpu.memory_space<hbm>>) dst(%arg17 : memref<128xf32, #tpu.memory_space<vmem>>)
      %dma_wait3A_135 = tpu.memref_slice %arg8[%mul3A_10] : memref<8192xf32, #tpu.memory_space<hbm>> -> memref<512xf32, #tpu.memory_space<hbm>>
      %dma_wait3A_136 = tpu.memref_slice %arg8[%mul3A_10] : memref<8192xf32, #tpu.memory_space<hbm>> -> memref<512xf32, #tpu.memory_space<hbm>>
      tpu.wait_dma2 semaphore(%arg25 : memref<!tpu.dma_semaphore, #tpu.memory_space<semaphore_mem>>) src(%dma_wait3A_136 : memref<512xf32, #tpu.memory_space<hbm>>) dst(%arg18 : memref<512xf32, #tpu.memory_space<vmem>>)
      %dma_wait3A_137 = arith.constant 0 : i32
      %dma_wait3A_138 = tpu.memref_slice %arg13[%dma_wait3A_137] : memref<32896xf32, #tpu.memory_space<vmem>> -> memref<4103xf32, #tpu.memory_space<vmem>>
      %dma_wait3A_139 = arith.constant 0 : i32
      %dma_wait3A_140 = tpu.memref_slice %arg4[%add3A_15, %dma_wait3A_139] : memref<128x4103xf32, #tpu.memory_space<hbm>> -> memref<1x4103xf32, #tpu.memory_space<hbm>>
      %dma_wait3A_141 = tpu.memref_squeeze %dma_wait3A_140 : memref<1x4103xf32, #tpu.memory_space<hbm>> -> memref<4103xf32, #tpu.memory_space<hbm>>
      %dma_wait3A_142 = arith.constant 0 : i32
      %dma_wait3A_143 = tpu.memref_slice %arg13[%dma_wait3A_142] : memref<32896xf32, #tpu.memory_space<vmem>> -> memref<4103xf32, #tpu.memory_space<vmem>>
      %dma_wait3A_144 = arith.constant 0 : i32
      %dma_wait3A_145 = tpu.memref_slice %arg4[%add3A_15, %dma_wait3A_144] : memref<128x4103xf32, #tpu.memory_space<hbm>> -> memref<1x4103xf32, #tpu.memory_space<hbm>>
      %dma_wait3A_146 = tpu.memref_squeeze %dma_wait3A_145 : memref<1x4103xf32, #tpu.memory_space<hbm>> -> memref<4103xf32, #tpu.memory_space<hbm>>
      tpu.wait_dma2 semaphore(%arg25 : memref<!tpu.dma_semaphore, #tpu.memory_space<semaphore_mem>>) src(%dma_wait3A_146 : memref<4103xf32, #tpu.memory_space<hbm>>) dst(%dma_wait3A_143 : memref<4103xf32, #tpu.memory_space<vmem>>)
      %dma_wait3A_147 = arith.constant 4112 : i32
      %dma_wait3A_148 = tpu.memref_slice %arg13[%dma_wait3A_147] : memref<32896xf32, #tpu.memory_space<vmem>> -> memref<4103xf32, #tpu.memory_space<vmem>>
      %dma_wait3A_149 = arith.constant 0 : i32
      %dma_wait3A_150 = tpu.memref_slice %arg4[%add3A_29, %dma_wait3A_149] : memref<128x4103xf32, #tpu.memory_space<hbm>> -> memref<1x4103xf32, #tpu.memory_space<hbm>>
      %dma_wait3A_151 = tpu.memref_squeeze %dma_wait3A_150 : memref<1x4103xf32, #tpu.memory_space<hbm>> -> memref<4103xf32, #tpu.memory_space<hbm>>
      %dma_wait3A_152 = arith.constant 4112 : i32
      %dma_wait3A_153 = tpu.memref_slice %arg13[%dma_wait3A_152] : memref<32896xf32, #tpu.memory_space<vmem>> -> memref<4103xf32, #tpu.memory_space<vmem>>
      %dma_wait3A_154 = arith.constant 0 : i32
      %dma_wait3A_155 = tpu.memref_slice %arg4[%add3A_29, %dma_wait3A_154] : memref<128x4103xf32, #tpu.memory_space<hbm>> -> memref<1x4103xf32, #tpu.memory_space<hbm>>
      %dma_wait3A_156 = tpu.memref_squeeze %dma_wait3A_155 : memref<1x4103xf32, #tpu.memory_space<hbm>> -> memref<4103xf32, #tpu.memory_space<hbm>>
      tpu.wait_dma2 semaphore(%arg25 : memref<!tpu.dma_semaphore, #tpu.memory_space<semaphore_mem>>) src(%dma_wait3A_156 : memref<4103xf32, #tpu.memory_space<hbm>>) dst(%dma_wait3A_153 : memref<4103xf32, #tpu.memory_space<vmem>>)
      %dma_wait3A_157 = arith.constant 8224 : i32
      %dma_wait3A_158 = tpu.memref_slice %arg13[%dma_wait3A_157] : memref<32896xf32, #tpu.memory_space<vmem>> -> memref<4103xf32, #tpu.memory_space<vmem>>
      %dma_wait3A_159 = arith.constant 0 : i32
      %dma_wait3A_160 = tpu.memref_slice %arg4[%add3A_43, %dma_wait3A_159] : memref<128x4103xf32, #tpu.memory_space<hbm>> -> memref<1x4103xf32, #tpu.memory_space<hbm>>
      %dma_wait3A_161 = tpu.memref_squeeze %dma_wait3A_160 : memref<1x4103xf32, #tpu.memory_space<hbm>> -> memref<4103xf32, #tpu.memory_space<hbm>>
      %dma_wait3A_162 = arith.constant 8224 : i32
      %dma_wait3A_163 = tpu.memref_slice %arg13[%dma_wait3A_162] : memref<32896xf32, #tpu.memory_space<vmem>> -> memref<4103xf32, #tpu.memory_space<vmem>>
      %dma_wait3A_164 = arith.constant 0 : i32
      %dma_wait3A_165 = tpu.memref_slice %arg4[%add3A_43, %dma_wait3A_164] : memref<128x4103xf32, #tpu.memory_space<hbm>> -> memref<1x4103xf32, #tpu.memory_space<hbm>>
      %dma_wait3A_166 = tpu.memref_squeeze %dma_wait3A_165 : memref<1x4103xf32, #tpu.memory_space<hbm>> -> memref<4103xf32, #tpu.memory_space<hbm>>
      tpu.wait_dma2 semaphore(%arg25 : memref<!tpu.dma_semaphore, #tpu.memory_space<semaphore_mem>>) src(%dma_wait3A_166 : memref<4103xf32, #tpu.memory_space<hbm>>) dst(%dma_wait3A_163 : memref<4103xf32, #tpu.memory_space<vmem>>)
      %dma_wait3A_167 = arith.constant 12336 : i32
      %dma_wait3A_168 = tpu.memref_slice %arg13[%dma_wait3A_167] : memref<32896xf32, #tpu.memory_space<vmem>> -> memref<4103xf32, #tpu.memory_space<vmem>>
      %dma_wait3A_169 = arith.constant 0 : i32
      %dma_wait3A_170 = tpu.memref_slice %arg4[%add3A_57, %dma_wait3A_169] : memref<128x4103xf32, #tpu.memory_space<hbm>> -> memref<1x4103xf32, #tpu.memory_space<hbm>>
      %dma_wait3A_171 = tpu.memref_squeeze %dma_wait3A_170 : memref<1x4103xf32, #tpu.memory_space<hbm>> -> memref<4103xf32, #tpu.memory_space<hbm>>
      %dma_wait3A_172 = arith.constant 12336 : i32
      %dma_wait3A_173 = tpu.memref_slice %arg13[%dma_wait3A_172] : memref<32896xf32, #tpu.memory_space<vmem>> -> memref<4103xf32, #tpu.memory_space<vmem>>
      %dma_wait3A_174 = arith.constant 0 : i32
      %dma_wait3A_175 = tpu.memref_slice %arg4[%add3A_57, %dma_wait3A_174] : memref<128x4103xf32, #tpu.memory_space<hbm>> -> memref<1x4103xf32, #tpu.memory_space<hbm>>
      %dma_wait3A_176 = tpu.memref_squeeze %dma_wait3A_175 : memref<1x4103xf32, #tpu.memory_space<hbm>> -> memref<4103xf32, #tpu.memory_space<hbm>>
      tpu.wait_dma2 semaphore(%arg25 : memref<!tpu.dma_semaphore, #tpu.memory_space<semaphore_mem>>) src(%dma_wait3A_176 : memref<4103xf32, #tpu.memory_space<hbm>>) dst(%dma_wait3A_173 : memref<4103xf32, #tpu.memory_space<vmem>>)
      %dma_wait3A_177 = arith.constant 16448 : i32
      %dma_wait3A_178 = tpu.memref_slice %arg13[%dma_wait3A_177] : memref<32896xf32, #tpu.memory_space<vmem>> -> memref<4103xf32, #tpu.memory_space<vmem>>
      %dma_wait3A_179 = arith.constant 0 : i32
      %dma_wait3A_180 = tpu.memref_slice %arg4[%add3A_71, %dma_wait3A_179] : memref<128x4103xf32, #tpu.memory_space<hbm>> -> memref<1x4103xf32, #tpu.memory_space<hbm>>
      %dma_wait3A_181 = tpu.memref_squeeze %dma_wait3A_180 : memref<1x4103xf32, #tpu.memory_space<hbm>> -> memref<4103xf32, #tpu.memory_space<hbm>>
      %dma_wait3A_182 = arith.constant 16448 : i32
      %dma_wait3A_183 = tpu.memref_slice %arg13[%dma_wait3A_182] : memref<32896xf32, #tpu.memory_space<vmem>> -> memref<4103xf32, #tpu.memory_space<vmem>>
      %dma_wait3A_184 = arith.constant 0 : i32
      %dma_wait3A_185 = tpu.memref_slice %arg4[%add3A_71, %dma_wait3A_184] : memref<128x4103xf32, #tpu.memory_space<hbm>> -> memref<1x4103xf32, #tpu.memory_space<hbm>>
      %dma_wait3A_186 = tpu.memref_squeeze %dma_wait3A_185 : memref<1x4103xf32, #tpu.memory_space<hbm>> -> memref<4103xf32, #tpu.memory_space<hbm>>
      tpu.wait_dma2 semaphore(%arg25 : memref<!tpu.dma_semaphore, #tpu.memory_space<semaphore_mem>>) src(%dma_wait3A_186 : memref<4103xf32, #tpu.memory_space<hbm>>) dst(%dma_wait3A_183 : memref<4103xf32, #tpu.memory_space<vmem>>)
      %dma_wait3A_187 = arith.constant 20560 : i32
      %dma_wait3A_188 = tpu.memref_slice %arg13[%dma_wait3A_187] : memref<32896xf32, #tpu.memory_space<vmem>> -> memref<4103xf32, #tpu.memory_space<vmem>>
      %dma_wait3A_189 = arith.constant 0 : i32
      %dma_wait3A_190 = tpu.memref_slice %arg4[%add3A_85, %dma_wait3A_189] : memref<128x4103xf32, #tpu.memory_space<hbm>> -> memref<1x4103xf32, #tpu.memory_space<hbm>>
      %dma_wait3A_191 = tpu.memref_squeeze %dma_wait3A_190 : memref<1x4103xf32, #tpu.memory_space<hbm>> -> memref<4103xf32, #tpu.memory_space<hbm>>
      %dma_wait3A_192 = arith.constant 20560 : i32
      %dma_wait3A_193 = tpu.memref_slice %arg13[%dma_wait3A_192] : memref<32896xf32, #tpu.memory_space<vmem>> -> memref<4103xf32, #tpu.memory_space<vmem>>
      %dma_wait3A_194 = arith.constant 0 : i32
      %dma_wait3A_195 = tpu.memref_slice %arg4[%add3A_85, %dma_wait3A_194] : memref<128x4103xf32, #tpu.memory_space<hbm>> -> memref<1x4103xf32, #tpu.memory_space<hbm>>
      %dma_wait3A_196 = tpu.memref_squeeze %dma_wait3A_195 : memref<1x4103xf32, #tpu.memory_space<hbm>> -> memref<4103xf32, #tpu.memory_space<hbm>>
      tpu.wait_dma2 semaphore(%arg25 : memref<!tpu.dma_semaphore, #tpu.memory_space<semaphore_mem>>) src(%dma_wait3A_196 : memref<4103xf32, #tpu.memory_space<hbm>>) dst(%dma_wait3A_193 : memref<4103xf32, #tpu.memory_space<vmem>>)
      %dma_wait3A_197 = arith.constant 24672 : i32
      %dma_wait3A_198 = tpu.memref_slice %arg13[%dma_wait3A_197] : memref<32896xf32, #tpu.memory_space<vmem>> -> memref<4103xf32, #tpu.memory_space<vmem>>
      %dma_wait3A_199 = arith.constant 0 : i32
      %dma_wait3A_200 = tpu.memref_slice %arg4[%add3A_99, %dma_wait3A_199] : memref<128x4103xf32, #tpu.memory_space<hbm>> -> memref<1x4103xf32, #tpu.memory_space<hbm>>
      %dma_wait3A_201 = tpu.memref_squeeze %dma_wait3A_200 : memref<1x4103xf32, #tpu.memory_space<hbm>> -> memref<4103xf32, #tpu.memory_space<hbm>>
      %dma_wait3A_202 = arith.constant 24672 : i32
      %dma_wait3A_203 = tpu.memref_slice %arg13[%dma_wait3A_202] : memref<32896xf32, #tpu.memory_space<vmem>> -> memref<4103xf32, #tpu.memory_space<vmem>>
      %dma_wait3A_204 = arith.constant 0 : i32
      %dma_wait3A_205 = tpu.memref_slice %arg4[%add3A_99, %dma_wait3A_204] : memref<128x4103xf32, #tpu.memory_space<hbm>> -> memref<1x4103xf32, #tpu.memory_space<hbm>>
      %dma_wait3A_206 = tpu.memref_squeeze %dma_wait3A_205 : memref<1x4103xf32, #tpu.memory_space<hbm>> -> memref<4103xf32, #tpu.memory_space<hbm>>
      tpu.wait_dma2 semaphore(%arg25 : memref<!tpu.dma_semaphore, #tpu.memory_space<semaphore_mem>>) src(%dma_wait3A_206 : memref<4103xf32, #tpu.memory_space<hbm>>) dst(%dma_wait3A_203 : memref<4103xf32, #tpu.memory_space<vmem>>)
      %dma_wait3A_207 = arith.constant 28784 : i32
      %dma_wait3A_208 = tpu.memref_slice %arg13[%dma_wait3A_207] : memref<32896xf32, #tpu.memory_space<vmem>> -> memref<4103xf32, #tpu.memory_space<vmem>>
      %dma_wait3A_209 = arith.constant 0 : i32
      %dma_wait3A_210 = tpu.memref_slice %arg4[%add3A_113, %dma_wait3A_209] : memref<128x4103xf32, #tpu.memory_space<hbm>> -> memref<1x4103xf32, #tpu.memory_space<hbm>>
      %dma_wait3A_211 = tpu.memref_squeeze %dma_wait3A_210 : memref<1x4103xf32, #tpu.memory_space<hbm>> -> memref<4103xf32, #tpu.memory_space<hbm>>
      %dma_wait3A_212 = arith.constant 28784 : i32
      %dma_wait3A_213 = tpu.memref_slice %arg13[%dma_wait3A_212] : memref<32896xf32, #tpu.memory_space<vmem>> -> memref<4103xf32, #tpu.memory_space<vmem>>
      %dma_wait3A_214 = arith.constant 0 : i32
      %dma_wait3A_215 = tpu.memref_slice %arg4[%add3A_113, %dma_wait3A_214] : memref<128x4103xf32, #tpu.memory_space<hbm>> -> memref<1x4103xf32, #tpu.memory_space<hbm>>
      %dma_wait3A_216 = tpu.memref_squeeze %dma_wait3A_215 : memref<1x4103xf32, #tpu.memory_space<hbm>> -> memref<4103xf32, #tpu.memory_space<hbm>>
      tpu.wait_dma2 semaphore(%arg25 : memref<!tpu.dma_semaphore, #tpu.memory_space<semaphore_mem>>) src(%dma_wait3A_216 : memref<4103xf32, #tpu.memory_space<hbm>>) dst(%dma_wait3A_213 : memref<4103xf32, #tpu.memory_space<vmem>>)
      %broadcast_in_dim3A = arith.constant 0.000000e+00 : f32
      %broadcast_in_dim3A_217 = vector.broadcast %broadcast_in_dim3A : f32 to vector<16xf32>
      %broadcast_in_dim3A_218 = arith.constant 0.000000e+00 : f32
      %broadcast_in_dim3A_219 = vector.broadcast %broadcast_in_dim3A_218 : f32 to vector<16xf32>
      %broadcast_in_dim3A_220 = arith.constant 0.000000e+00 : f32
      %broadcast_in_dim3A_221 = vector.broadcast %broadcast_in_dim3A_220 : f32 to vector<16xf32>
      %broadcast_in_dim3A_222 = arith.constant 0.000000e+00 : f32
      %broadcast_in_dim3A_223 = vector.broadcast %broadcast_in_dim3A_222 : f32 to vector<16xf32>
      %broadcast_in_dim3A_224 = arith.constant 0.000000e+00 : f32
      %broadcast_in_dim3A_225 = vector.broadcast %broadcast_in_dim3A_224 : f32 to vector<16xf32>
      %broadcast_in_dim3A_226 = arith.constant 0.000000e+00 : f32
      %broadcast_in_dim3A_227 = vector.broadcast %broadcast_in_dim3A_226 : f32 to vector<16xf32>
      %broadcast_in_dim3A_228 = arith.constant 0.000000e+00 : f32
      %broadcast_in_dim3A_229 = vector.broadcast %broadcast_in_dim3A_228 : f32 to vector<16xf32>
      %broadcast_in_dim3A_230 = arith.constant 0.000000e+00 : f32
      %broadcast_in_dim3A_231 = vector.broadcast %broadcast_in_dim3A_230 : f32 to vector<16xf32>
      %parallel_loop3A = arith.constant 0 : i32
      %parallel_loop3A_232 = arith.constant 64 : i32
      %parallel_loop3A_233 = arith.constant 1 : i32
      %parallel_loop3A_234:8 = scf.for %parallel_loop3A_870 = %parallel_loop3A to %parallel_loop3A_232 step %parallel_loop3A_233 iter_args(%parallel_loop3A_871 = %broadcast_in_dim3A_217, %parallel_loop3A_872 = %broadcast_in_dim3A_219, %parallel_loop3A_873 = %broadcast_in_dim3A_221, %parallel_loop3A_874 = %broadcast_in_dim3A_223, %parallel_loop3A_875 = %broadcast_in_dim3A_225, %parallel_loop3A_876 = %broadcast_in_dim3A_227, %parallel_loop3A_877 = %broadcast_in_dim3A_229, %parallel_loop3A_878 = %broadcast_in_dim3A_231) -> (vector<16xf32>, vector<16xf32>, vector<16xf32>, vector<16xf32>, vector<16xf32>, vector<16xf32>, vector<16xf32>, vector<16xf32>)  : i32 {
        %parallel_loop3A_879 = arith.constant 64 : i32
        %parallel_loop3A_880 = arith.muli %parallel_loop3A_870, %parallel_loop3A_879 : i32
        %parallel_loop3A_881 = tpu.assume_multiple %parallel_loop3A_880, 64 : i32
        %parallel_loop3A_882 = arith.constant 0 : i32
        %parallel_loop3A_883 = arith.addi %parallel_loop3A_881, %parallel_loop3A_882 : i32
        %parallel_loop3A_884 = arith.index_cast %parallel_loop3A_883 : i32 to index
        %parallel_loop3A_885 = tpu.vector_load %arg11[%parallel_loop3A_884] {strides = array<i32>} : memref<4096xf32, #tpu.memory_space<vmem>>, vector<16xf32>,
        %parallel_loop3A_886 = arith.constant 0 : i32
        %parallel_loop3A_887 = arith.addi %parallel_loop3A_886, %parallel_loop3A_883 : i32
        %parallel_loop3A_888 = arith.index_cast %parallel_loop3A_887 : i32 to index
        %parallel_loop3A_889 = tpu.vector_load %arg13[%parallel_loop3A_888] {strides = array<i32>} : memref<32896xf32, #tpu.memory_space<vmem>>, vector<16xf32>,
        %parallel_loop3A_890 = arith.mulf %parallel_loop3A_885, %parallel_loop3A_889 : vector<16xf32>
        %parallel_loop3A_891 = arith.addf %parallel_loop3A_871, %parallel_loop3A_890 : vector<16xf32>
        %parallel_loop3A_892 = arith.constant 4112 : i32
        %parallel_loop3A_893 = arith.addi %parallel_loop3A_892, %parallel_loop3A_883 : i32
        %parallel_loop3A_894 = arith.index_cast %parallel_loop3A_893 : i32 to index
        %parallel_loop3A_895 = tpu.vector_load %arg13[%parallel_loop3A_894] {strides = array<i32>} : memref<32896xf32, #tpu.memory_space<vmem>>, vector<16xf32>,
        %parallel_loop3A_896 = arith.mulf %parallel_loop3A_885, %parallel_loop3A_895 : vector<16xf32>
        %parallel_loop3A_897 = arith.addf %parallel_loop3A_872, %parallel_loop3A_896 : vector<16xf32>
        %parallel_loop3A_898 = arith.constant 8224 : i32
        %parallel_loop3A_899 = arith.addi %parallel_loop3A_898, %parallel_loop3A_883 : i32
        %parallel_loop3A_900 = arith.index_cast %parallel_loop3A_899 : i32 to index
        %parallel_loop3A_901 = tpu.vector_load %arg13[%parallel_loop3A_900] {strides = array<i32>} : memref<32896xf32, #tpu.memory_space<vmem>>, vector<16xf32>,
        %parallel_loop3A_902 = arith.mulf %parallel_loop3A_885, %parallel_loop3A_901 : vector<16xf32>
        %parallel_loop3A_903 = arith.addf %parallel_loop3A_873, %parallel_loop3A_902 : vector<16xf32>
        %parallel_loop3A_904 = arith.constant 12336 : i32
        %parallel_loop3A_905 = arith.addi %parallel_loop3A_904, %parallel_loop3A_883 : i32
        %parallel_loop3A_906 = arith.index_cast %parallel_loop3A_905 : i32 to index
        %parallel_loop3A_907 = tpu.vector_load %arg13[%parallel_loop3A_906] {strides = array<i32>} : memref<32896xf32, #tpu.memory_space<vmem>>, vector<16xf32>,
        %parallel_loop3A_908 = arith.mulf %parallel_loop3A_885, %parallel_loop3A_907 : vector<16xf32>
        %parallel_loop3A_909 = arith.addf %parallel_loop3A_874, %parallel_loop3A_908 : vector<16xf32>
        %parallel_loop3A_910 = arith.constant 16448 : i32
        %parallel_loop3A_911 = arith.addi %parallel_loop3A_910, %parallel_loop3A_883 : i32
        %parallel_loop3A_912 = arith.index_cast %parallel_loop3A_911 : i32 to index
        %parallel_loop3A_913 = tpu.vector_load %arg13[%parallel_loop3A_912] {strides = array<i32>} : memref<32896xf32, #tpu.memory_space<vmem>>, vector<16xf32>,
        %parallel_loop3A_914 = arith.mulf %parallel_loop3A_885, %parallel_loop3A_913 : vector<16xf32>
        %parallel_loop3A_915 = arith.addf %parallel_loop3A_875, %parallel_loop3A_914 : vector<16xf32>
        %parallel_loop3A_916 = arith.constant 20560 : i32
        %parallel_loop3A_917 = arith.addi %parallel_loop3A_916, %parallel_loop3A_883 : i32
        %parallel_loop3A_918 = arith.index_cast %parallel_loop3A_917 : i32 to index
        %parallel_loop3A_919 = tpu.vector_load %arg13[%parallel_loop3A_918] {strides = array<i32>} : memref<32896xf32, #tpu.memory_space<vmem>>, vector<16xf32>,
        %parallel_loop3A_920 = arith.mulf %parallel_loop3A_885, %parallel_loop3A_919 : vector<16xf32>
        %parallel_loop3A_921 = arith.addf %parallel_loop3A_876, %parallel_loop3A_920 : vector<16xf32>
        %parallel_loop3A_922 = arith.constant 24672 : i32
        %parallel_loop3A_923 = arith.addi %parallel_loop3A_922, %parallel_loop3A_883 : i32
        %parallel_loop3A_924 = arith.index_cast %parallel_loop3A_923 : i32 to index
        %parallel_loop3A_925 = tpu.vector_load %arg13[%parallel_loop3A_924] {strides = array<i32>} : memref<32896xf32, #tpu.memory_space<vmem>>, vector<16xf32>,
        %parallel_loop3A_926 = arith.mulf %parallel_loop3A_885, %parallel_loop3A_925 : vector<16xf32>
        %parallel_loop3A_927 = arith.addf %parallel_loop3A_877, %parallel_loop3A_926 : vector<16xf32>
        %parallel_loop3A_928 = arith.constant 28784 : i32
        %parallel_loop3A_929 = arith.addi %parallel_loop3A_928, %parallel_loop3A_883 : i32
        %parallel_loop3A_930 = arith.index_cast %parallel_loop3A_929 : i32 to index
        %parallel_loop3A_931 = tpu.vector_load %arg13[%parallel_loop3A_930] {strides = array<i32>} : memref<32896xf32, #tpu.memory_space<vmem>>, vector<16xf32>,
        %parallel_loop3A_932 = arith.mulf %parallel_loop3A_885, %parallel_loop3A_931 : vector<16xf32>
        %parallel_loop3A_933 = arith.addf %parallel_loop3A_878, %parallel_loop3A_932 : vector<16xf32>
        %parallel_loop3A_934 = arith.constant 16 : i32
        %parallel_loop3A_935 = arith.addi %parallel_loop3A_881, %parallel_loop3A_934 : i32
        %parallel_loop3A_936 = arith.index_cast %parallel_loop3A_935 : i32 to index
        %parallel_loop3A_937 = tpu.vector_load %arg11[%parallel_loop3A_936] {strides = array<i32>} : memref<4096xf32, #tpu.memory_space<vmem>>, vector<16xf32>,
        %parallel_loop3A_938 = arith.constant 0 : i32
        %parallel_loop3A_939 = arith.addi %parallel_loop3A_938, %parallel_loop3A_935 : i32
        %parallel_loop3A_940 = arith.index_cast %parallel_loop3A_939 : i32 to index
        %parallel_loop3A_941 = tpu.vector_load %arg13[%parallel_loop3A_940] {strides = array<i32>} : memref<32896xf32, #tpu.memory_space<vmem>>, vector<16xf32>,
        %parallel_loop3A_942 = arith.mulf %parallel_loop3A_937, %parallel_loop3A_941 : vector<16xf32>
        %parallel_loop3A_943 = arith.addf %parallel_loop3A_891, %parallel_loop3A_942 : vector<16xf32>
        %parallel_loop3A_944 = arith.constant 4112 : i32
        %parallel_loop3A_945 = arith.addi %parallel_loop3A_944, %parallel_loop3A_935 : i32
        %parallel_loop3A_946 = arith.index_cast %parallel_loop3A_945 : i32 to index
        %parallel_loop3A_947 = tpu.vector_load %arg13[%parallel_loop3A_946] {strides = array<i32>} : memref<32896xf32, #tpu.memory_space<vmem>>, vector<16xf32>,
        %parallel_loop3A_948 = arith.mulf %parallel_loop3A_937, %parallel_loop3A_947 : vector<16xf32>
        %parallel_loop3A_949 = arith.addf %parallel_loop3A_897, %parallel_loop3A_948 : vector<16xf32>
        %parallel_loop3A_950 = arith.constant 8224 : i32
        %parallel_loop3A_951 = arith.addi %parallel_loop3A_950, %parallel_loop3A_935 : i32
        %parallel_loop3A_952 = arith.index_cast %parallel_loop3A_951 : i32 to index
        %parallel_loop3A_953 = tpu.vector_load %arg13[%parallel_loop3A_952] {strides = array<i32>} : memref<32896xf32, #tpu.memory_space<vmem>>, vector<16xf32>,
        %parallel_loop3A_954 = arith.mulf %parallel_loop3A_937, %parallel_loop3A_953 : vector<16xf32>
        %parallel_loop3A_955 = arith.addf %parallel_loop3A_903, %parallel_loop3A_954 : vector<16xf32>
        %parallel_loop3A_956 = arith.constant 12336 : i32
        %parallel_loop3A_957 = arith.addi %parallel_loop3A_956, %parallel_loop3A_935 : i32
        %parallel_loop3A_958 = arith.index_cast %parallel_loop3A_957 : i32 to index
        %parallel_loop3A_959 = tpu.vector_load %arg13[%parallel_loop3A_958] {strides = array<i32>} : memref<32896xf32, #tpu.memory_space<vmem>>, vector<16xf32>,
        %parallel_loop3A_960 = arith.mulf %parallel_loop3A_937, %parallel_loop3A_959 : vector<16xf32>
        %parallel_loop3A_961 = arith.addf %parallel_loop3A_909, %parallel_loop3A_960 : vector<16xf32>
        %parallel_loop3A_962 = arith.constant 16448 : i32
        %parallel_loop3A_963 = arith.addi %parallel_loop3A_962, %parallel_loop3A_935 : i32
        %parallel_loop3A_964 = arith.index_cast %parallel_loop3A_963 : i32 to index
        %parallel_loop3A_965 = tpu.vector_load %arg13[%parallel_loop3A_964] {strides = array<i32>} : memref<32896xf32, #tpu.memory_space<vmem>>, vector<16xf32>,
        %parallel_loop3A_966 = arith.mulf %parallel_loop3A_937, %parallel_loop3A_965 : vector<16xf32>
        %parallel_loop3A_967 = arith.addf %parallel_loop3A_915, %parallel_loop3A_966 : vector<16xf32>
        %parallel_loop3A_968 = arith.constant 20560 : i32
        %parallel_loop3A_969 = arith.addi %parallel_loop3A_968, %parallel_loop3A_935 : i32
        %parallel_loop3A_970 = arith.index_cast %parallel_loop3A_969 : i32 to index
        %parallel_loop3A_971 = tpu.vector_load %arg13[%parallel_loop3A_970] {strides = array<i32>} : memref<32896xf32, #tpu.memory_space<vmem>>, vector<16xf32>,
        %parallel_loop3A_972 = arith.mulf %parallel_loop3A_937, %parallel_loop3A_971 : vector<16xf32>
        %parallel_loop3A_973 = arith.addf %parallel_loop3A_921, %parallel_loop3A_972 : vector<16xf32>
        %parallel_loop3A_974 = arith.constant 24672 : i32
        %parallel_loop3A_975 = arith.addi %parallel_loop3A_974, %parallel_loop3A_935 : i32
        %parallel_loop3A_976 = arith.index_cast %parallel_loop3A_975 : i32 to index
        %parallel_loop3A_977 = tpu.vector_load %arg13[%parallel_loop3A_976] {strides = array<i32>} : memref<32896xf32, #tpu.memory_space<vmem>>, vector<16xf32>,
        %parallel_loop3A_978 = arith.mulf %parallel_loop3A_937, %parallel_loop3A_977 : vector<16xf32>
        %parallel_loop3A_979 = arith.addf %parallel_loop3A_927, %parallel_loop3A_978 : vector<16xf32>
        %parallel_loop3A_980 = arith.constant 28784 : i32
        %parallel_loop3A_981 = arith.addi %parallel_loop3A_980, %parallel_loop3A_935 : i32
        %parallel_loop3A_982 = arith.index_cast %parallel_loop3A_981 : i32 to index
        %parallel_loop3A_983 = tpu.vector_load %arg13[%parallel_loop3A_982] {strides = array<i32>} : memref<32896xf32, #tpu.memory_space<vmem>>, vector<16xf32>,
        %parallel_loop3A_984 = arith.mulf %parallel_loop3A_937, %parallel_loop3A_983 : vector<16xf32>
        %parallel_loop3A_985 = arith.addf %parallel_loop3A_933, %parallel_loop3A_984 : vector<16xf32>
        %parallel_loop3A_986 = arith.constant 32 : i32
        %parallel_loop3A_987 = arith.addi %parallel_loop3A_881, %parallel_loop3A_986 : i32
        %parallel_loop3A_988 = arith.index_cast %parallel_loop3A_987 : i32 to index
        %parallel_loop3A_989 = tpu.vector_load %arg11[%parallel_loop3A_988] {strides = array<i32>} : memref<4096xf32, #tpu.memory_space<vmem>>, vector<16xf32>,
        %parallel_loop3A_990 = arith.constant 0 : i32
        %parallel_loop3A_991 = arith.addi %parallel_loop3A_990, %parallel_loop3A_987 : i32
        %parallel_loop3A_992 = arith.index_cast %parallel_loop3A_991 : i32 to index
        %parallel_loop3A_993 = tpu.vector_load %arg13[%parallel_loop3A_992] {strides = array<i32>} : memref<32896xf32, #tpu.memory_space<vmem>>, vector<16xf32>,
        %parallel_loop3A_994 = arith.mulf %parallel_loop3A_989, %parallel_loop3A_993 : vector<16xf32>
        %parallel_loop3A_995 = arith.addf %parallel_loop3A_943, %parallel_loop3A_994 : vector<16xf32>
        %parallel_loop3A_996 = arith.constant 4112 : i32
        %parallel_loop3A_997 = arith.addi %parallel_loop3A_996, %parallel_loop3A_987 : i32
        %parallel_loop3A_998 = arith.index_cast %parallel_loop3A_997 : i32 to index
        %parallel_loop3A_999 = tpu.vector_load %arg13[%parallel_loop3A_998] {strides = array<i32>} : memref<32896xf32, #tpu.memory_space<vmem>>, vector<16xf32>,
        %parallel_loop3A_1000 = arith.mulf %parallel_loop3A_989, %parallel_loop3A_999 : vector<16xf32>
        %parallel_loop3A_1001 = arith.addf %parallel_loop3A_949, %parallel_loop3A_1000 : vector<16xf32>
        %parallel_loop3A_1002 = arith.constant 8224 : i32
        %parallel_loop3A_1003 = arith.addi %parallel_loop3A_1002, %parallel_loop3A_987 : i32
        %parallel_loop3A_1004 = arith.index_cast %parallel_loop3A_1003 : i32 to index
        %parallel_loop3A_1005 = tpu.vector_load %arg13[%parallel_loop3A_1004] {strides = array<i32>} : memref<32896xf32, #tpu.memory_space<vmem>>, vector<16xf32>,
        %parallel_loop3A_1006 = arith.mulf %parallel_loop3A_989, %parallel_loop3A_1005 : vector<16xf32>
        %parallel_loop3A_1007 = arith.addf %parallel_loop3A_955, %parallel_loop3A_1006 : vector<16xf32>
        %parallel_loop3A_1008 = arith.constant 12336 : i32
        %parallel_loop3A_1009 = arith.addi %parallel_loop3A_1008, %parallel_loop3A_987 : i32
        %parallel_loop3A_1010 = arith.index_cast %parallel_loop3A_1009 : i32 to index
        %parallel_loop3A_1011 = tpu.vector_load %arg13[%parallel_loop3A_1010] {strides = array<i32>} : memref<32896xf32, #tpu.memory_space<vmem>>, vector<16xf32>,
        %parallel_loop3A_1012 = arith.mulf %parallel_loop3A_989, %parallel_loop3A_1011 : vector<16xf32>
        %parallel_loop3A_1013 = arith.addf %parallel_loop3A_961, %parallel_loop3A_1012 : vector<16xf32>
        %parallel_loop3A_1014 = arith.constant 16448 : i32
        %parallel_loop3A_1015 = arith.addi %parallel_loop3A_1014, %parallel_loop3A_987 : i32
        %parallel_loop3A_1016 = arith.index_cast %parallel_loop3A_1015 : i32 to index
        %parallel_loop3A_1017 = tpu.vector_load %arg13[%parallel_loop3A_1016] {strides = array<i32>} : memref<32896xf32, #tpu.memory_space<vmem>>, vector<16xf32>,
        %parallel_loop3A_1018 = arith.mulf %parallel_loop3A_989, %parallel_loop3A_1017 : vector<16xf32>
        %parallel_loop3A_1019 = arith.addf %parallel_loop3A_967, %parallel_loop3A_1018 : vector<16xf32>
        %parallel_loop3A_1020 = arith.constant 20560 : i32
        %parallel_loop3A_1021 = arith.addi %parallel_loop3A_1020, %parallel_loop3A_987 : i32
        %parallel_loop3A_1022 = arith.index_cast %parallel_loop3A_1021 : i32 to index
        %parallel_loop3A_1023 = tpu.vector_load %arg13[%parallel_loop3A_1022] {strides = array<i32>} : memref<32896xf32, #tpu.memory_space<vmem>>, vector<16xf32>,
        %parallel_loop3A_1024 = arith.mulf %parallel_loop3A_989, %parallel_loop3A_1023 : vector<16xf32>
        %parallel_loop3A_1025 = arith.addf %parallel_loop3A_973, %parallel_loop3A_1024 : vector<16xf32>
        %parallel_loop3A_1026 = arith.constant 24672 : i32
        %parallel_loop3A_1027 = arith.addi %parallel_loop3A_1026, %parallel_loop3A_987 : i32
        %parallel_loop3A_1028 = arith.index_cast %parallel_loop3A_1027 : i32 to index
        %parallel_loop3A_1029 = tpu.vector_load %arg13[%parallel_loop3A_1028] {strides = array<i32>} : memref<32896xf32, #tpu.memory_space<vmem>>, vector<16xf32>,
        %parallel_loop3A_1030 = arith.mulf %parallel_loop3A_989, %parallel_loop3A_1029 : vector<16xf32>
        %parallel_loop3A_1031 = arith.addf %parallel_loop3A_979, %parallel_loop3A_1030 : vector<16xf32>
        %parallel_loop3A_1032 = arith.constant 28784 : i32
        %parallel_loop3A_1033 = arith.addi %parallel_loop3A_1032, %parallel_loop3A_987 : i32
        %parallel_loop3A_1034 = arith.index_cast %parallel_loop3A_1033 : i32 to index
        %parallel_loop3A_1035 = tpu.vector_load %arg13[%parallel_loop3A_1034] {strides = array<i32>} : memref<32896xf32, #tpu.memory_space<vmem>>, vector<16xf32>,
        %parallel_loop3A_1036 = arith.mulf %parallel_loop3A_989, %parallel_loop3A_1035 : vector<16xf32>
        %parallel_loop3A_1037 = arith.addf %parallel_loop3A_985, %parallel_loop3A_1036 : vector<16xf32>
        %parallel_loop3A_1038 = arith.constant 48 : i32
        %parallel_loop3A_1039 = arith.addi %parallel_loop3A_881, %parallel_loop3A_1038 : i32
        %parallel_loop3A_1040 = arith.index_cast %parallel_loop3A_1039 : i32 to index
        %parallel_loop3A_1041 = tpu.vector_load %arg11[%parallel_loop3A_1040] {strides = array<i32>} : memref<4096xf32, #tpu.memory_space<vmem>>, vector<16xf32>,
        %parallel_loop3A_1042 = arith.constant 0 : i32
        %parallel_loop3A_1043 = arith.addi %parallel_loop3A_1042, %parallel_loop3A_1039 : i32
        %parallel_loop3A_1044 = arith.index_cast %parallel_loop3A_1043 : i32 to index
        %parallel_loop3A_1045 = tpu.vector_load %arg13[%parallel_loop3A_1044] {strides = array<i32>} : memref<32896xf32, #tpu.memory_space<vmem>>, vector<16xf32>,
        %parallel_loop3A_1046 = arith.mulf %parallel_loop3A_1041, %parallel_loop3A_1045 : vector<16xf32>
        %parallel_loop3A_1047 = arith.addf %parallel_loop3A_995, %parallel_loop3A_1046 : vector<16xf32>
        %parallel_loop3A_1048 = arith.constant 4112 : i32
        %parallel_loop3A_1049 = arith.addi %parallel_loop3A_1048, %parallel_loop3A_1039 : i32
        %parallel_loop3A_1050 = arith.index_cast %parallel_loop3A_1049 : i32 to index
        %parallel_loop3A_1051 = tpu.vector_load %arg13[%parallel_loop3A_1050] {strides = array<i32>} : memref<32896xf32, #tpu.memory_space<vmem>>, vector<16xf32>,
        %parallel_loop3A_1052 = arith.mulf %parallel_loop3A_1041, %parallel_loop3A_1051 : vector<16xf32>
        %parallel_loop3A_1053 = arith.addf %parallel_loop3A_1001, %parallel_loop3A_1052 : vector<16xf32>
        %parallel_loop3A_1054 = arith.constant 8224 : i32
        %parallel_loop3A_1055 = arith.addi %parallel_loop3A_1054, %parallel_loop3A_1039 : i32
        %parallel_loop3A_1056 = arith.index_cast %parallel_loop3A_1055 : i32 to index
        %parallel_loop3A_1057 = tpu.vector_load %arg13[%parallel_loop3A_1056] {strides = array<i32>} : memref<32896xf32, #tpu.memory_space<vmem>>, vector<16xf32>,
        %parallel_loop3A_1058 = arith.mulf %parallel_loop3A_1041, %parallel_loop3A_1057 : vector<16xf32>
        %parallel_loop3A_1059 = arith.addf %parallel_loop3A_1007, %parallel_loop3A_1058 : vector<16xf32>
        %parallel_loop3A_1060 = arith.constant 12336 : i32
        %parallel_loop3A_1061 = arith.addi %parallel_loop3A_1060, %parallel_loop3A_1039 : i32
        %parallel_loop3A_1062 = arith.index_cast %parallel_loop3A_1061 : i32 to index
        %parallel_loop3A_1063 = tpu.vector_load %arg13[%parallel_loop3A_1062] {strides = array<i32>} : memref<32896xf32, #tpu.memory_space<vmem>>, vector<16xf32>,
        %parallel_loop3A_1064 = arith.mulf %parallel_loop3A_1041, %parallel_loop3A_1063 : vector<16xf32>
        %parallel_loop3A_1065 = arith.addf %parallel_loop3A_1013, %parallel_loop3A_1064 : vector<16xf32>
        %parallel_loop3A_1066 = arith.constant 16448 : i32
        %parallel_loop3A_1067 = arith.addi %parallel_loop3A_1066, %parallel_loop3A_1039 : i32
        %parallel_loop3A_1068 = arith.index_cast %parallel_loop3A_1067 : i32 to index
        %parallel_loop3A_1069 = tpu.vector_load %arg13[%parallel_loop3A_1068] {strides = array<i32>} : memref<32896xf32, #tpu.memory_space<vmem>>, vector<16xf32>,
        %parallel_loop3A_1070 = arith.mulf %parallel_loop3A_1041, %parallel_loop3A_1069 : vector<16xf32>
        %parallel_loop3A_1071 = arith.addf %parallel_loop3A_1019, %parallel_loop3A_1070 : vector<16xf32>
        %parallel_loop3A_1072 = arith.constant 20560 : i32
        %parallel_loop3A_1073 = arith.addi %parallel_loop3A_1072, %parallel_loop3A_1039 : i32
        %parallel_loop3A_1074 = arith.index_cast %parallel_loop3A_1073 : i32 to index
        %parallel_loop3A_1075 = tpu.vector_load %arg13[%parallel_loop3A_1074] {strides = array<i32>} : memref<32896xf32, #tpu.memory_space<vmem>>, vector<16xf32>,
        %parallel_loop3A_1076 = arith.mulf %parallel_loop3A_1041, %parallel_loop3A_1075 : vector<16xf32>
        %parallel_loop3A_1077 = arith.addf %parallel_loop3A_1025, %parallel_loop3A_1076 : vector<16xf32>
        %parallel_loop3A_1078 = arith.constant 24672 : i32
        %parallel_loop3A_1079 = arith.addi %parallel_loop3A_1078, %parallel_loop3A_1039 : i32
        %parallel_loop3A_1080 = arith.index_cast %parallel_loop3A_1079 : i32 to index
        %parallel_loop3A_1081 = tpu.vector_load %arg13[%parallel_loop3A_1080] {strides = array<i32>} : memref<32896xf32, #tpu.memory_space<vmem>>, vector<16xf32>,
        %parallel_loop3A_1082 = arith.mulf %parallel_loop3A_1041, %parallel_loop3A_1081 : vector<16xf32>
        %parallel_loop3A_1083 = arith.addf %parallel_loop3A_1031, %parallel_loop3A_1082 : vector<16xf32>
        %parallel_loop3A_1084 = arith.constant 28784 : i32
        %parallel_loop3A_1085 = arith.addi %parallel_loop3A_1084, %parallel_loop3A_1039 : i32
        %parallel_loop3A_1086 = arith.index_cast %parallel_loop3A_1085 : i32 to index
        %parallel_loop3A_1087 = tpu.vector_load %arg13[%parallel_loop3A_1086] {strides = array<i32>} : memref<32896xf32, #tpu.memory_space<vmem>>, vector<16xf32>,
        %parallel_loop3A_1088 = arith.mulf %parallel_loop3A_1041, %parallel_loop3A_1087 : vector<16xf32>
        %parallel_loop3A_1089 = arith.addf %parallel_loop3A_1037, %parallel_loop3A_1088 : vector<16xf32>
        scf.yield %parallel_loop3A_1047, %parallel_loop3A_1053, %parallel_loop3A_1059, %parallel_loop3A_1065, %parallel_loop3A_1071, %parallel_loop3A_1077, %parallel_loop3A_1083, %parallel_loop3A_1089 : vector<16xf32>, vector<16xf32>, vector<16xf32>, vector<16xf32>, vector<16xf32>, vector<16xf32>, vector<16xf32>, vector<16xf32>
      } {sc.loop_unroll_factor = 2 : i64, sc.parallel_access}
      %lt3A = arith.constant 7 : i32
      %lt3A_235 = vector.broadcast %lt3A : i32 to vector<16xi32>
      %lt3A_236 = arith.cmpi slt, %iota3A, %lt3A_235 : vector<16xi32>
      %get3A = arith.constant 0 : index
      %get3A_237 = tpu.vector_load %arg12[%get3A] {strides = array<i32>} : memref<16xf32, #tpu.memory_space<vmem>>, vector<16xf32>,
      %jit3A = arith.constant 0.000000e+00 : f32
      %broadcast_in_dim3A_238 = vector.broadcast %jit3A : f32 to vector<16xf32>
      %select_n3A = arith.select %lt3A_236, %get3A_237, %broadcast_in_dim3A_238 : vector<16xi1>, vector<16xf32>
      %get3A_239 = arith.constant 4096 : index
      %get3A_240 = tpu.vector_load %arg13[%get3A_239] {strides = array<i32>} : memref<32896xf32, #tpu.memory_space<vmem>>, vector<16xf32>,
      %jit3A_241 = arith.constant 0.000000e+00 : f32
      %broadcast_in_dim3A_242 = vector.broadcast %jit3A_241 : f32 to vector<16xf32>
      %select_n3A_243 = arith.select %lt3A_236, %get3A_240, %broadcast_in_dim3A_242 : vector<16xi1>, vector<16xf32>
      %mul3A_244 = arith.mulf %select_n3A, %select_n3A_243 : vector<16xf32>
      %add3A_245 = arith.addf %parallel_loop3A_234#0, %mul3A_244 : vector<16xf32>
      %get3A_246 = arith.constant 8208 : index
      %get3A_247 = tpu.vector_load %arg13[%get3A_246] {strides = array<i32>} : memref<32896xf32, #tpu.memory_space<vmem>>, vector<16xf32>,
      %jit3A_248 = arith.constant 0.000000e+00 : f32
      %broadcast_in_dim3A_249 = vector.broadcast %jit3A_248 : f32 to vector<16xf32>
      %select_n3A_250 = arith.select %lt3A_236, %get3A_247, %broadcast_in_dim3A_249 : vector<16xi1>, vector<16xf32>
      %mul3A_251 = arith.mulf %select_n3A, %select_n3A_250 : vector<16xf32>
      %add3A_252 = arith.addf %parallel_loop3A_234#1, %mul3A_251 : vector<16xf32>
      %get3A_253 = arith.constant 12320 : index
      %get3A_254 = tpu.vector_load %arg13[%get3A_253] {strides = array<i32>} : memref<32896xf32, #tpu.memory_space<vmem>>, vector<16xf32>,
      %jit3A_255 = arith.constant 0.000000e+00 : f32
      %broadcast_in_dim3A_256 = vector.broadcast %jit3A_255 : f32 to vector<16xf32>
      %select_n3A_257 = arith.select %lt3A_236, %get3A_254, %broadcast_in_dim3A_256 : vector<16xi1>, vector<16xf32>
      %mul3A_258 = arith.mulf %select_n3A, %select_n3A_257 : vector<16xf32>
      %add3A_259 = arith.addf %parallel_loop3A_234#2, %mul3A_258 : vector<16xf32>
      %get3A_260 = arith.constant 16432 : index
      %get3A_261 = tpu.vector_load %arg13[%get3A_260] {strides = array<i32>} : memref<32896xf32, #tpu.memory_space<vmem>>, vector<16xf32>,
      %jit3A_262 = arith.constant 0.000000e+00 : f32
      %broadcast_in_dim3A_263 = vector.broadcast %jit3A_262 : f32 to vector<16xf32>
      %select_n3A_264 = arith.select %lt3A_236, %get3A_261, %broadcast_in_dim3A_263 : vector<16xi1>, vector<16xf32>
      %mul3A_265 = arith.mulf %select_n3A, %select_n3A_264 : vector<16xf32>
      %add3A_266 = arith.addf %parallel_loop3A_234#3, %mul3A_265 : vector<16xf32>
      %get3A_267 = arith.constant 20544 : index
      %get3A_268 = tpu.vector_load %arg13[%get3A_267] {strides = array<i32>} : memref<32896xf32, #tpu.memory_space<vmem>>, vector<16xf32>,
      %jit3A_269 = arith.constant 0.000000e+00 : f32
      %broadcast_in_dim3A_270 = vector.broadcast %jit3A_269 : f32 to vector<16xf32>
      %select_n3A_271 = arith.select %lt3A_236, %get3A_268, %broadcast_in_dim3A_270 : vector<16xi1>, vector<16xf32>
      %mul3A_272 = arith.mulf %select_n3A, %select_n3A_271 : vector<16xf32>
      %add3A_273 = arith.addf %parallel_loop3A_234#4, %mul3A_272 : vector<16xf32>
      %get3A_274 = arith.constant 24656 : index
      %get3A_275 = tpu.vector_load %arg13[%get3A_274] {strides = array<i32>} : memref<32896xf32, #tpu.memory_space<vmem>>, vector<16xf32>,
      %jit3A_276 = arith.constant 0.000000e+00 : f32
      %broadcast_in_dim3A_277 = vector.broadcast %jit3A_276 : f32 to vector<16xf32>
      %select_n3A_278 = arith.select %lt3A_236, %get3A_275, %broadcast_in_dim3A_277 : vector<16xi1>, vector<16xf32>
      %mul3A_279 = arith.mulf %select_n3A, %select_n3A_278 : vector<16xf32>
      %add3A_280 = arith.addf %parallel_loop3A_234#5, %mul3A_279 : vector<16xf32>
      %get3A_281 = arith.constant 28768 : index
      %get3A_282 = tpu.vector_load %arg13[%get3A_281] {strides = array<i32>} : memref<32896xf32, #tpu.memory_space<vmem>>, vector<16xf32>,
      %jit3A_283 = arith.constant 0.000000e+00 : f32
      %broadcast_in_dim3A_284 = vector.broadcast %jit3A_283 : f32 to vector<16xf32>
      %select_n3A_285 = arith.select %lt3A_236, %get3A_282, %broadcast_in_dim3A_284 : vector<16xi1>, vector<16xf32>
      %mul3A_286 = arith.mulf %select_n3A, %select_n3A_285 : vector<16xf32>
      %add3A_287 = arith.addf %parallel_loop3A_234#6, %mul3A_286 : vector<16xf32>
      %get3A_288 = arith.constant 32880 : index
      %get3A_289 = tpu.vector_load %arg13[%get3A_288] {strides = array<i32>} : memref<32896xf32, #tpu.memory_space<vmem>>, vector<16xf32>,
      %jit3A_290 = arith.constant 0.000000e+00 : f32
      %broadcast_in_dim3A_291 = vector.broadcast %jit3A_290 : f32 to vector<16xf32>
      %select_n3A_292 = arith.select %lt3A_236, %get3A_289, %broadcast_in_dim3A_291 : vector<16xi1>, vector<16xf32>
      %mul3A_293 = arith.mulf %select_n3A, %select_n3A_292 : vector<16xf32>
      %add3A_294 = arith.addf %parallel_loop3A_234#7, %mul3A_293 : vector<16xf32>
      %broadcast_in_dim3A_295 = arith.constant 0.000000e+00 : f32
      %broadcast_in_dim3A_296 = vector.broadcast %broadcast_in_dim3A_295 : f32 to vector<16xf32>
      %reduce_sum3A = arith.constant true
      %reduce_sum3A_297 = vector.broadcast %reduce_sum3A : i1 to vector<16xi1>
      %reduce_sum3A_298 = tpu.scan <sum>, %add3A_245 masked %reduce_sum3A_297 : vector<16xf32>, vector<16xi1> -> vector<16xf32>
      %reduce_sum3A_299 = vector.extract %reduce_sum3A_298[15] : f32 from vector<16xf32>
      %eq3A_300 = arith.constant 0 : i32
      %eq3A_301 = vector.broadcast %eq3A_300 : i32 to vector<16xi32>
      %eq3A_302 = arith.cmpi eq, %iota3A, %eq3A_301 : vector<16xi32>
      %broadcast_in_dim3A_303 = vector.broadcast %reduce_sum3A_299 : f32 to vector<16xf32>
      %select_n3A_304 = arith.select %eq3A_302, %broadcast_in_dim3A_303, %broadcast_in_dim3A_296 : vector<16xi1>, vector<16xf32>
      %reduce_sum3A_305 = arith.constant true
      %reduce_sum3A_306 = vector.broadcast %reduce_sum3A_305 : i1 to vector<16xi1>
      %reduce_sum3A_307 = tpu.scan <sum>, %add3A_252 masked %reduce_sum3A_306 : vector<16xf32>, vector<16xi1> -> vector<16xf32>
      %reduce_sum3A_308 = vector.extract %reduce_sum3A_307[15] : f32 from vector<16xf32>
      %eq3A_309 = arith.constant 1 : i32
      %eq3A_310 = vector.broadcast %eq3A_309 : i32 to vector<16xi32>
      %eq3A_311 = arith.cmpi eq, %iota3A, %eq3A_310 : vector<16xi32>
      %broadcast_in_dim3A_312 = vector.broadcast %reduce_sum3A_308 : f32 to vector<16xf32>
      %select_n3A_313 = arith.select %eq3A_311, %broadcast_in_dim3A_312, %select_n3A_304 : vector<16xi1>, vector<16xf32>
      %reduce_sum3A_314 = arith.constant true
      %reduce_sum3A_315 = vector.broadcast %reduce_sum3A_314 : i1 to vector<16xi1>
      %reduce_sum3A_316 = tpu.scan <sum>, %add3A_259 masked %reduce_sum3A_315 : vector<16xf32>, vector<16xi1> -> vector<16xf32>
      %reduce_sum3A_317 = vector.extract %reduce_sum3A_316[15] : f32 from vector<16xf32>
      %eq3A_318 = arith.constant 2 : i32
      %eq3A_319 = vector.broadcast %eq3A_318 : i32 to vector<16xi32>
      %eq3A_320 = arith.cmpi eq, %iota3A, %eq3A_319 : vector<16xi32>
      %broadcast_in_dim3A_321 = vector.broadcast %reduce_sum3A_317 : f32 to vector<16xf32>
      %select_n3A_322 = arith.select %eq3A_320, %broadcast_in_dim3A_321, %select_n3A_313 : vector<16xi1>, vector<16xf32>
      %reduce_sum3A_323 = arith.constant true
      %reduce_sum3A_324 = vector.broadcast %reduce_sum3A_323 : i1 to vector<16xi1>
      %reduce_sum3A_325 = tpu.scan <sum>, %add3A_266 masked %reduce_sum3A_324 : vector<16xf32>, vector<16xi1> -> vector<16xf32>
      %reduce_sum3A_326 = vector.extract %reduce_sum3A_325[15] : f32 from vector<16xf32>
      %eq3A_327 = arith.constant 3 : i32
      %eq3A_328 = vector.broadcast %eq3A_327 : i32 to vector<16xi32>
      %eq3A_329 = arith.cmpi eq, %iota3A, %eq3A_328 : vector<16xi32>
      %broadcast_in_dim3A_330 = vector.broadcast %reduce_sum3A_326 : f32 to vector<16xf32>
      %select_n3A_331 = arith.select %eq3A_329, %broadcast_in_dim3A_330, %select_n3A_322 : vector<16xi1>, vector<16xf32>
      %reduce_sum3A_332 = arith.constant true
      %reduce_sum3A_333 = vector.broadcast %reduce_sum3A_332 : i1 to vector<16xi1>
      %reduce_sum3A_334 = tpu.scan <sum>, %add3A_273 masked %reduce_sum3A_333 : vector<16xf32>, vector<16xi1> -> vector<16xf32>
      %reduce_sum3A_335 = vector.extract %reduce_sum3A_334[15] : f32 from vector<16xf32>
      %eq3A_336 = arith.constant 4 : i32
      %eq3A_337 = vector.broadcast %eq3A_336 : i32 to vector<16xi32>
      %eq3A_338 = arith.cmpi eq, %iota3A, %eq3A_337 : vector<16xi32>
      %broadcast_in_dim3A_339 = vector.broadcast %reduce_sum3A_335 : f32 to vector<16xf32>
      %select_n3A_340 = arith.select %eq3A_338, %broadcast_in_dim3A_339, %select_n3A_331 : vector<16xi1>, vector<16xf32>
      %reduce_sum3A_341 = arith.constant true
      %reduce_sum3A_342 = vector.broadcast %reduce_sum3A_341 : i1 to vector<16xi1>
      %reduce_sum3A_343 = tpu.scan <sum>, %add3A_280 masked %reduce_sum3A_342 : vector<16xf32>, vector<16xi1> -> vector<16xf32>
      %reduce_sum3A_344 = vector.extract %reduce_sum3A_343[15] : f32 from vector<16xf32>
      %eq3A_345 = arith.constant 5 : i32
      %eq3A_346 = vector.broadcast %eq3A_345 : i32 to vector<16xi32>
      %eq3A_347 = arith.cmpi eq, %iota3A, %eq3A_346 : vector<16xi32>
      %broadcast_in_dim3A_348 = vector.broadcast %reduce_sum3A_344 : f32 to vector<16xf32>
      %select_n3A_349 = arith.select %eq3A_347, %broadcast_in_dim3A_348, %select_n3A_340 : vector<16xi1>, vector<16xf32>
      %reduce_sum3A_350 = arith.constant true
      %reduce_sum3A_351 = vector.broadcast %reduce_sum3A_350 : i1 to vector<16xi1>
      %reduce_sum3A_352 = tpu.scan <sum>, %add3A_287 masked %reduce_sum3A_351 : vector<16xf32>, vector<16xi1> -> vector<16xf32>
      %reduce_sum3A_353 = vector.extract %reduce_sum3A_352[15] : f32 from vector<16xf32>
      %eq3A_354 = arith.constant 6 : i32
      %eq3A_355 = vector.broadcast %eq3A_354 : i32 to vector<16xi32>
      %eq3A_356 = arith.cmpi eq, %iota3A, %eq3A_355 : vector<16xi32>
      %broadcast_in_dim3A_357 = vector.broadcast %reduce_sum3A_353 : f32 to vector<16xf32>
      %select_n3A_358 = arith.select %eq3A_356, %broadcast_in_dim3A_357, %select_n3A_349 : vector<16xi1>, vector<16xf32>
      %reduce_sum3A_359 = arith.constant true
      %reduce_sum3A_360 = vector.broadcast %reduce_sum3A_359 : i1 to vector<16xi1>
      %reduce_sum3A_361 = tpu.scan <sum>, %add3A_294 masked %reduce_sum3A_360 : vector<16xf32>, vector<16xi1> -> vector<16xf32>
      %reduce_sum3A_362 = vector.extract %reduce_sum3A_361[15] : f32 from vector<16xf32>
      %eq3A_363 = arith.constant 7 : i32
      %eq3A_364 = vector.broadcast %eq3A_363 : i32 to vector<16xi32>
      %eq3A_365 = arith.cmpi eq, %iota3A, %eq3A_364 : vector<16xi32>
      %broadcast_in_dim3A_366 = vector.broadcast %reduce_sum3A_362 : f32 to vector<16xf32>
      %select_n3A_367 = arith.select %eq3A_365, %broadcast_in_dim3A_366, %select_n3A_358 : vector<16xi1>, vector<16xf32>
      %swap3A = arith.constant 0 : index
      %swap3A_368 = tpu.vector_load %arg22[%swap3A] {strides = array<i32>} : memref<16xf32, #tpu.memory_space<vmem>>, vector<16xf32>,
      tpu.vector_store %arg22[%swap3A], %select_n3A_367 {strides = array<i32>} : memref<16xf32, #tpu.memory_space<vmem>>, vector<16xf32>,
      %mul3A_369 = arith.constant 16 : i32
      %mul3A_370 = arith.muli %arg1, %mul3A_369 : i32
      "tpu.region"() ({
        %run_scoped3A = tpu.sem_alloc : memref<!tpu.dma_semaphore, #tpu.memory_space<semaphore_mem>>
        %dma_start3A_870 = tpu.memref_slice %arg23[%mul3A_370] : memref<256xf32, #tpu.memory_space<vmem_shared>> -> memref<16xf32, #tpu.memory_space<vmem_shared>>
        %dma_start3A_871 = tpu.memref_slice %arg23[%mul3A_370] : memref<256xf32, #tpu.memory_space<vmem_shared>> -> memref<16xf32, #tpu.memory_space<vmem_shared>>
        tpu.enqueue_dma source(%arg22 : memref<16xf32, #tpu.memory_space<vmem>>) target(%dma_start3A_871 : memref<16xf32, #tpu.memory_space<vmem_shared>>) target_semaphore(%run_scoped3A : memref<!tpu.dma_semaphore, #tpu.memory_space<semaphore_mem>>)
        %dma_wait3A_872 = tpu.memref_slice %arg23[%mul3A_370] : memref<256xf32, #tpu.memory_space<vmem_shared>> -> memref<16xf32, #tpu.memory_space<vmem_shared>>
        %dma_wait3A_873 = tpu.memref_slice %arg23[%mul3A_370] : memref<256xf32, #tpu.memory_space<vmem_shared>> -> memref<16xf32, #tpu.memory_space<vmem_shared>>
        tpu.wait_dma2 semaphore(%run_scoped3A : memref<!tpu.dma_semaphore, #tpu.memory_space<semaphore_mem>>) src(%arg22 : memref<16xf32, #tpu.memory_space<vmem>>) dst(%dma_wait3A_873 : memref<16xf32, #tpu.memory_space<vmem_shared>>)
        tpu.yield
      }) : () -> ()
      %barrier3A = arith.constant 0 : index
      tpu.barrier barrier_id(%barrier3A)
      "tpu.region"() ({
        %run_scoped3A = tpu.sem_alloc : memref<!tpu.dma_semaphore, #tpu.memory_space<semaphore_mem>>
        tpu.enqueue_dma source(%arg23 : memref<256xf32, #tpu.memory_space<vmem_shared>>) target(%arg14 : memref<256xf32, #tpu.memory_space<vmem>>) target_semaphore(%run_scoped3A : memref<!tpu.dma_semaphore, #tpu.memory_space<semaphore_mem>>)
        tpu.wait_dma2 semaphore(%run_scoped3A : memref<!tpu.dma_semaphore, #tpu.memory_space<semaphore_mem>>) src(%arg23 : memref<256xf32, #tpu.memory_space<vmem_shared>>) dst(%arg14 : memref<256xf32, #tpu.memory_space<vmem>>)
        tpu.yield
      }) : () -> ()
      %broadcast_in_dim3A_371 = arith.constant 7 : i32
      %broadcast_in_dim3A_372 = vector.broadcast %broadcast_in_dim3A_371 : i32 to vector<16xi32>
      %gather3A = tpu.vector_load_idx %arg12[%broadcast_in_dim3A_372] : memref<16xf32, #tpu.memory_space<vmem>>[vector<16xi32>], vector<16xf32>,
      %shift_right_arithmetic3A = arith.constant 3 : i32
      %shift_right_arithmetic3A_373 = vector.broadcast %shift_right_arithmetic3A : i32 to vector<16xi32>
      %shift_right_arithmetic3A_374 = arith.shrsi %iota3A, %shift_right_arithmetic3A_373 : vector<16xi32>
      %mul3A_375 = arith.constant 16 : i32
      %mul3A_376 = vector.broadcast %mul3A_375 : i32 to vector<16xi32>
      %mul3A_377 = arith.muli %shift_right_arithmetic3A_374, %mul3A_376 : vector<16xi32>
      %and3A = arith.constant 7 : i32
      %and3A_378 = vector.broadcast %and3A : i32 to vector<16xi32>
      %and3A_379 = arith.andi %iota3A, %and3A_378 : vector<16xi32>
      %add3A_380 = arith.addi %mul3A_377, %and3A_379 : vector<16xi32>
      %add3A_381 = arith.constant 0 : i32
      %add3A_382 = vector.broadcast %add3A_381 : i32 to vector<16xi32>
      %add3A_383 = arith.addi %add3A_382, %add3A_380 : vector<16xi32>
      %gather3A_384 = tpu.vector_load_idx %arg14[%add3A_383] : memref<256xf32, #tpu.memory_space<vmem>>[vector<16xi32>], vector<16xf32>,
      %get3A_385 = arith.constant 0 : index
      %get3A_386 = tpu.vector_load %arg15[%get3A_385] {strides = array<i32>} : memref<128xf32, #tpu.memory_space<vmem>>, vector<16xf32>,
      %add3A_387 = arith.addf %gather3A_384, %get3A_386 : vector<16xf32>
      %ge3A = arith.constant 0.000000e+00 : f32
      %ge3A_388 = vector.broadcast %ge3A : f32 to vector<16xf32>
      %ge3A_389 = arith.cmpf oge, %add3A_387, %ge3A_388 : vector<16xf32>
      %mul3A_390 = arith.mulf %gather3A, %add3A_387 : vector<16xf32>
      %select_n3A_391 = arith.select %ge3A_389, %add3A_387, %mul3A_390 : vector<16xi1>, vector<16xf32>
      %reduce_sum3A_392 = arith.constant true
      %reduce_sum3A_393 = vector.broadcast %reduce_sum3A_392 : i1 to vector<16xi1>
      %reduce_sum3A_394 = tpu.scan <sum>, %select_n3A_391 masked %reduce_sum3A_393 : vector<16xf32>, vector<16xi1> -> vector<16xf32>
      %reduce_sum3A_395 = vector.extract %reduce_sum3A_394[15] : f32 from vector<16xf32>
      %add3A_396 = arith.constant 0.000000e+00 : f32
      %add3A_397 = arith.addf %add3A_396, %reduce_sum3A_395 : f32
      %add3A_398 = arith.constant 32 : i32
      %add3A_399 = vector.broadcast %add3A_398 : i32 to vector<16xi32>
      %add3A_400 = arith.addi %add3A_399, %add3A_380 : vector<16xi32>
      %gather3A_401 = tpu.vector_load_idx %arg14[%add3A_400] : memref<256xf32, #tpu.memory_space<vmem>>[vector<16xi32>], vector<16xf32>,
      %get3A_402 = arith.constant 16 : index
      %get3A_403 = tpu.vector_load %arg15[%get3A_402] {strides = array<i32>} : memref<128xf32, #tpu.memory_space<vmem>>, vector<16xf32>,
      %add3A_404 = arith.addf %gather3A_401, %get3A_403 : vector<16xf32>
      %ge3A_405 = arith.constant 0.000000e+00 : f32
      %ge3A_406 = vector.broadcast %ge3A_405 : f32 to vector<16xf32>
      %ge3A_407 = arith.cmpf oge, %add3A_404, %ge3A_406 : vector<16xf32>
      %mul3A_408 = arith.mulf %gather3A, %add3A_404 : vector<16xf32>
      %select_n3A_409 = arith.select %ge3A_407, %add3A_404, %mul3A_408 : vector<16xi1>, vector<16xf32>
      %reduce_sum3A_410 = arith.constant true
      %reduce_sum3A_411 = vector.broadcast %reduce_sum3A_410 : i1 to vector<16xi1>
      %reduce_sum3A_412 = tpu.scan <sum>, %select_n3A_409 masked %reduce_sum3A_411 : vector<16xf32>, vector<16xi1> -> vector<16xf32>
      %reduce_sum3A_413 = vector.extract %reduce_sum3A_412[15] : f32 from vector<16xf32>
      %add3A_414 = arith.addf %add3A_397, %reduce_sum3A_413 : f32
      %add3A_415 = arith.constant 64 : i32
      %add3A_416 = vector.broadcast %add3A_415 : i32 to vector<16xi32>
      %add3A_417 = arith.addi %add3A_416, %add3A_380 : vector<16xi32>
      %gather3A_418 = tpu.vector_load_idx %arg14[%add3A_417] : memref<256xf32, #tpu.memory_space<vmem>>[vector<16xi32>], vector<16xf32>,
      %get3A_419 = arith.constant 32 : index
      %get3A_420 = tpu.vector_load %arg15[%get3A_419] {strides = array<i32>} : memref<128xf32, #tpu.memory_space<vmem>>, vector<16xf32>,
      %add3A_421 = arith.addf %gather3A_418, %get3A_420 : vector<16xf32>
      %ge3A_422 = arith.constant 0.000000e+00 : f32
      %ge3A_423 = vector.broadcast %ge3A_422 : f32 to vector<16xf32>
      %ge3A_424 = arith.cmpf oge, %add3A_421, %ge3A_423 : vector<16xf32>
      %mul3A_425 = arith.mulf %gather3A, %add3A_421 : vector<16xf32>
      %select_n3A_426 = arith.select %ge3A_424, %add3A_421, %mul3A_425 : vector<16xi1>, vector<16xf32>
      %reduce_sum3A_427 = arith.constant true
      %reduce_sum3A_428 = vector.broadcast %reduce_sum3A_427 : i1 to vector<16xi1>
      %reduce_sum3A_429 = tpu.scan <sum>, %select_n3A_426 masked %reduce_sum3A_428 : vector<16xf32>, vector<16xi1> -> vector<16xf32>
      %reduce_sum3A_430 = vector.extract %reduce_sum3A_429[15] : f32 from vector<16xf32>
      %add3A_431 = arith.addf %add3A_414, %reduce_sum3A_430 : f32
      %add3A_432 = arith.constant 96 : i32
      %add3A_433 = vector.broadcast %add3A_432 : i32 to vector<16xi32>
      %add3A_434 = arith.addi %add3A_433, %add3A_380 : vector<16xi32>
      %gather3A_435 = tpu.vector_load_idx %arg14[%add3A_434] : memref<256xf32, #tpu.memory_space<vmem>>[vector<16xi32>], vector<16xf32>,
      %get3A_436 = arith.constant 48 : index
      %get3A_437 = tpu.vector_load %arg15[%get3A_436] {strides = array<i32>} : memref<128xf32, #tpu.memory_space<vmem>>, vector<16xf32>,
      %add3A_438 = arith.addf %gather3A_435, %get3A_437 : vector<16xf32>
      %ge3A_439 = arith.constant 0.000000e+00 : f32
      %ge3A_440 = vector.broadcast %ge3A_439 : f32 to vector<16xf32>
      %ge3A_441 = arith.cmpf oge, %add3A_438, %ge3A_440 : vector<16xf32>
      %mul3A_442 = arith.mulf %gather3A, %add3A_438 : vector<16xf32>
      %select_n3A_443 = arith.select %ge3A_441, %add3A_438, %mul3A_442 : vector<16xi1>, vector<16xf32>
      %reduce_sum3A_444 = arith.constant true
      %reduce_sum3A_445 = vector.broadcast %reduce_sum3A_444 : i1 to vector<16xi1>
      %reduce_sum3A_446 = tpu.scan <sum>, %select_n3A_443 masked %reduce_sum3A_445 : vector<16xf32>, vector<16xi1> -> vector<16xf32>
      %reduce_sum3A_447 = vector.extract %reduce_sum3A_446[15] : f32 from vector<16xf32>
      %add3A_448 = arith.addf %add3A_431, %reduce_sum3A_447 : f32
      %add3A_449 = arith.constant 128 : i32
      %add3A_450 = vector.broadcast %add3A_449 : i32 to vector<16xi32>
      %add3A_451 = arith.addi %add3A_450, %add3A_380 : vector<16xi32>
      %gather3A_452 = tpu.vector_load_idx %arg14[%add3A_451] : memref<256xf32, #tpu.memory_space<vmem>>[vector<16xi32>], vector<16xf32>,
      %get3A_453 = arith.constant 64 : index
      %get3A_454 = tpu.vector_load %arg15[%get3A_453] {strides = array<i32>} : memref<128xf32, #tpu.memory_space<vmem>>, vector<16xf32>,
      %add3A_455 = arith.addf %gather3A_452, %get3A_454 : vector<16xf32>
      %ge3A_456 = arith.constant 0.000000e+00 : f32
      %ge3A_457 = vector.broadcast %ge3A_456 : f32 to vector<16xf32>
      %ge3A_458 = arith.cmpf oge, %add3A_455, %ge3A_457 : vector<16xf32>
      %mul3A_459 = arith.mulf %gather3A, %add3A_455 : vector<16xf32>
      %select_n3A_460 = arith.select %ge3A_458, %add3A_455, %mul3A_459 : vector<16xi1>, vector<16xf32>
      %reduce_sum3A_461 = arith.constant true
      %reduce_sum3A_462 = vector.broadcast %reduce_sum3A_461 : i1 to vector<16xi1>
      %reduce_sum3A_463 = tpu.scan <sum>, %select_n3A_460 masked %reduce_sum3A_462 : vector<16xf32>, vector<16xi1> -> vector<16xf32>
      %reduce_sum3A_464 = vector.extract %reduce_sum3A_463[15] : f32 from vector<16xf32>
      %add3A_465 = arith.addf %add3A_448, %reduce_sum3A_464 : f32
      %add3A_466 = arith.constant 160 : i32
      %add3A_467 = vector.broadcast %add3A_466 : i32 to vector<16xi32>
      %add3A_468 = arith.addi %add3A_467, %add3A_380 : vector<16xi32>
      %gather3A_469 = tpu.vector_load_idx %arg14[%add3A_468] : memref<256xf32, #tpu.memory_space<vmem>>[vector<16xi32>], vector<16xf32>,
      %get3A_470 = arith.constant 80 : index
      %get3A_471 = tpu.vector_load %arg15[%get3A_470] {strides = array<i32>} : memref<128xf32, #tpu.memory_space<vmem>>, vector<16xf32>,
      %add3A_472 = arith.addf %gather3A_469, %get3A_471 : vector<16xf32>
      %ge3A_473 = arith.constant 0.000000e+00 : f32
      %ge3A_474 = vector.broadcast %ge3A_473 : f32 to vector<16xf32>
      %ge3A_475 = arith.cmpf oge, %add3A_472, %ge3A_474 : vector<16xf32>
      %mul3A_476 = arith.mulf %gather3A, %add3A_472 : vector<16xf32>
      %select_n3A_477 = arith.select %ge3A_475, %add3A_472, %mul3A_476 : vector<16xi1>, vector<16xf32>
      %reduce_sum3A_478 = arith.constant true
      %reduce_sum3A_479 = vector.broadcast %reduce_sum3A_478 : i1 to vector<16xi1>
      %reduce_sum3A_480 = tpu.scan <sum>, %select_n3A_477 masked %reduce_sum3A_479 : vector<16xf32>, vector<16xi1> -> vector<16xf32>
      %reduce_sum3A_481 = vector.extract %reduce_sum3A_480[15] : f32 from vector<16xf32>
      %add3A_482 = arith.addf %add3A_465, %reduce_sum3A_481 : f32
      %add3A_483 = arith.constant 192 : i32
      %add3A_484 = vector.broadcast %add3A_483 : i32 to vector<16xi32>
      %add3A_485 = arith.addi %add3A_484, %add3A_380 : vector<16xi32>
      %gather3A_486 = tpu.vector_load_idx %arg14[%add3A_485] : memref<256xf32, #tpu.memory_space<vmem>>[vector<16xi32>], vector<16xf32>,
      %get3A_487 = arith.constant 96 : index
      %get3A_488 = tpu.vector_load %arg15[%get3A_487] {strides = array<i32>} : memref<128xf32, #tpu.memory_space<vmem>>, vector<16xf32>,
      %add3A_489 = arith.addf %gather3A_486, %get3A_488 : vector<16xf32>
      %ge3A_490 = arith.constant 0.000000e+00 : f32
      %ge3A_491 = vector.broadcast %ge3A_490 : f32 to vector<16xf32>
      %ge3A_492 = arith.cmpf oge, %add3A_489, %ge3A_491 : vector<16xf32>
      %mul3A_493 = arith.mulf %gather3A, %add3A_489 : vector<16xf32>
      %select_n3A_494 = arith.select %ge3A_492, %add3A_489, %mul3A_493 : vector<16xi1>, vector<16xf32>
      %reduce_sum3A_495 = arith.constant true
      %reduce_sum3A_496 = vector.broadcast %reduce_sum3A_495 : i1 to vector<16xi1>
      %reduce_sum3A_497 = tpu.scan <sum>, %select_n3A_494 masked %reduce_sum3A_496 : vector<16xf32>, vector<16xi1> -> vector<16xf32>
      %reduce_sum3A_498 = vector.extract %reduce_sum3A_497[15] : f32 from vector<16xf32>
      %add3A_499 = arith.addf %add3A_482, %reduce_sum3A_498 : f32
      %add3A_500 = arith.constant 224 : i32
      %add3A_501 = vector.broadcast %add3A_500 : i32 to vector<16xi32>
      %add3A_502 = arith.addi %add3A_501, %add3A_380 : vector<16xi32>
      %gather3A_503 = tpu.vector_load_idx %arg14[%add3A_502] : memref<256xf32, #tpu.memory_space<vmem>>[vector<16xi32>], vector<16xf32>,
      %get3A_504 = arith.constant 112 : index
      %get3A_505 = tpu.vector_load %arg15[%get3A_504] {strides = array<i32>} : memref<128xf32, #tpu.memory_space<vmem>>, vector<16xf32>,
      %add3A_506 = arith.addf %gather3A_503, %get3A_505 : vector<16xf32>
      %ge3A_507 = arith.constant 0.000000e+00 : f32
      %ge3A_508 = vector.broadcast %ge3A_507 : f32 to vector<16xf32>
      %ge3A_509 = arith.cmpf oge, %add3A_506, %ge3A_508 : vector<16xf32>
      %mul3A_510 = arith.mulf %gather3A, %add3A_506 : vector<16xf32>
      %select_n3A_511 = arith.select %ge3A_509, %add3A_506, %mul3A_510 : vector<16xi1>, vector<16xf32>
      %reduce_sum3A_512 = arith.constant true
      %reduce_sum3A_513 = vector.broadcast %reduce_sum3A_512 : i1 to vector<16xi1>
      %reduce_sum3A_514 = tpu.scan <sum>, %select_n3A_511 masked %reduce_sum3A_513 : vector<16xf32>, vector<16xi1> -> vector<16xf32>
      %reduce_sum3A_515 = vector.extract %reduce_sum3A_514[15] : f32 from vector<16xf32>
      %add3A_516 = arith.addf %add3A_499, %reduce_sum3A_515 : f32
      %mul3A_517 = arith.constant 7.812500e-03 : f32
      %mul3A_518 = arith.mulf %add3A_516, %mul3A_517 : f32
      %sub3A = vector.broadcast %mul3A_518 : f32 to vector<16xf32>
      %sub3A_519 = arith.subf %select_n3A_391, %sub3A : vector<16xf32>
      %mul3A_520 = arith.mulf %sub3A_519, %sub3A_519 : vector<16xf32>
      %reduce_sum3A_521 = arith.constant true
      %reduce_sum3A_522 = vector.broadcast %reduce_sum3A_521 : i1 to vector<16xi1>
      %reduce_sum3A_523 = tpu.scan <sum>, %mul3A_520 masked %reduce_sum3A_522 : vector<16xf32>, vector<16xi1> -> vector<16xf32>
      %reduce_sum3A_524 = vector.extract %reduce_sum3A_523[15] : f32 from vector<16xf32>
      %add3A_525 = arith.constant 0.000000e+00 : f32
      %add3A_526 = arith.addf %add3A_525, %reduce_sum3A_524 : f32
      %sub3A_527 = vector.broadcast %mul3A_518 : f32 to vector<16xf32>
      %sub3A_528 = arith.subf %select_n3A_409, %sub3A_527 : vector<16xf32>
      %mul3A_529 = arith.mulf %sub3A_528, %sub3A_528 : vector<16xf32>
      %reduce_sum3A_530 = arith.constant true
      %reduce_sum3A_531 = vector.broadcast %reduce_sum3A_530 : i1 to vector<16xi1>
      %reduce_sum3A_532 = tpu.scan <sum>, %mul3A_529 masked %reduce_sum3A_531 : vector<16xf32>, vector<16xi1> -> vector<16xf32>
      %reduce_sum3A_533 = vector.extract %reduce_sum3A_532[15] : f32 from vector<16xf32>
      %add3A_534 = arith.addf %add3A_526, %reduce_sum3A_533 : f32
      %sub3A_535 = vector.broadcast %mul3A_518 : f32 to vector<16xf32>
      %sub3A_536 = arith.subf %select_n3A_426, %sub3A_535 : vector<16xf32>
      %mul3A_537 = arith.mulf %sub3A_536, %sub3A_536 : vector<16xf32>
      %reduce_sum3A_538 = arith.constant true
      %reduce_sum3A_539 = vector.broadcast %reduce_sum3A_538 : i1 to vector<16xi1>
      %reduce_sum3A_540 = tpu.scan <sum>, %mul3A_537 masked %reduce_sum3A_539 : vector<16xf32>, vector<16xi1> -> vector<16xf32>
      %reduce_sum3A_541 = vector.extract %reduce_sum3A_540[15] : f32 from vector<16xf32>
      %add3A_542 = arith.addf %add3A_534, %reduce_sum3A_541 : f32
      %sub3A_543 = vector.broadcast %mul3A_518 : f32 to vector<16xf32>
      %sub3A_544 = arith.subf %select_n3A_443, %sub3A_543 : vector<16xf32>
      %mul3A_545 = arith.mulf %sub3A_544, %sub3A_544 : vector<16xf32>
      %reduce_sum3A_546 = arith.constant true
      %reduce_sum3A_547 = vector.broadcast %reduce_sum3A_546 : i1 to vector<16xi1>
      %reduce_sum3A_548 = tpu.scan <sum>, %mul3A_545 masked %reduce_sum3A_547 : vector<16xf32>, vector<16xi1> -> vector<16xf32>
      %reduce_sum3A_549 = vector.extract %reduce_sum3A_548[15] : f32 from vector<16xf32>
      %add3A_550 = arith.addf %add3A_542, %reduce_sum3A_549 : f32
      %sub3A_551 = vector.broadcast %mul3A_518 : f32 to vector<16xf32>
      %sub3A_552 = arith.subf %select_n3A_460, %sub3A_551 : vector<16xf32>
      %mul3A_553 = arith.mulf %sub3A_552, %sub3A_552 : vector<16xf32>
      %reduce_sum3A_554 = arith.constant true
      %reduce_sum3A_555 = vector.broadcast %reduce_sum3A_554 : i1 to vector<16xi1>
      %reduce_sum3A_556 = tpu.scan <sum>, %mul3A_553 masked %reduce_sum3A_555 : vector<16xf32>, vector<16xi1> -> vector<16xf32>
      %reduce_sum3A_557 = vector.extract %reduce_sum3A_556[15] : f32 from vector<16xf32>
      %add3A_558 = arith.addf %add3A_550, %reduce_sum3A_557 : f32
      %sub3A_559 = vector.broadcast %mul3A_518 : f32 to vector<16xf32>
      %sub3A_560 = arith.subf %select_n3A_477, %sub3A_559 : vector<16xf32>
      %mul3A_561 = arith.mulf %sub3A_560, %sub3A_560 : vector<16xf32>
      %reduce_sum3A_562 = arith.constant true
      %reduce_sum3A_563 = vector.broadcast %reduce_sum3A_562 : i1 to vector<16xi1>
      %reduce_sum3A_564 = tpu.scan <sum>, %mul3A_561 masked %reduce_sum3A_563 : vector<16xf32>, vector<16xi1> -> vector<16xf32>
      %reduce_sum3A_565 = vector.extract %reduce_sum3A_564[15] : f32 from vector<16xf32>
      %add3A_566 = arith.addf %add3A_558, %reduce_sum3A_565 : f32
      %sub3A_567 = vector.broadcast %mul3A_518 : f32 to vector<16xf32>
      %sub3A_568 = arith.subf %select_n3A_494, %sub3A_567 : vector<16xf32>
      %mul3A_569 = arith.mulf %sub3A_568, %sub3A_568 : vector<16xf32>
      %reduce_sum3A_570 = arith.constant true
      %reduce_sum3A_571 = vector.broadcast %reduce_sum3A_570 : i1 to vector<16xi1>
      %reduce_sum3A_572 = tpu.scan <sum>, %mul3A_569 masked %reduce_sum3A_571 : vector<16xf32>, vector<16xi1> -> vector<16xf32>
      %reduce_sum3A_573 = vector.extract %reduce_sum3A_572[15] : f32 from vector<16xf32>
      %add3A_574 = arith.addf %add3A_566, %reduce_sum3A_573 : f32
      %sub3A_575 = vector.broadcast %mul3A_518 : f32 to vector<16xf32>
      %sub3A_576 = arith.subf %select_n3A_511, %sub3A_575 : vector<16xf32>
      %mul3A_577 = arith.mulf %sub3A_576, %sub3A_576 : vector<16xf32>
      %reduce_sum3A_578 = arith.constant true
      %reduce_sum3A_579 = vector.broadcast %reduce_sum3A_578 : i1 to vector<16xi1>
      %reduce_sum3A_580 = tpu.scan <sum>, %mul3A_577 masked %reduce_sum3A_579 : vector<16xf32>, vector<16xi1> -> vector<16xf32>
      %reduce_sum3A_581 = vector.extract %reduce_sum3A_580[15] : f32 from vector<16xf32>
      %add3A_582 = arith.addf %add3A_574, %reduce_sum3A_581 : f32
      %mul3A_583 = arith.constant 7.812500e-03 : f32
      %mul3A_584 = arith.mulf %add3A_582, %mul3A_583 : f32
      %add3A_585 = arith.constant 9.99999974E-6 : f32
      %add3A_586 = arith.addf %mul3A_584, %add3A_585 : f32
      %broadcast_in_dim3A_587 = vector.broadcast %add3A_586 : f32 to vector<16xf32>
      %bitcast_convert_type3A = tpu.bitcast %broadcast_in_dim3A_587 : vector<16xf32> -> vector<16xi32>
      %shift_right_logical3A = arith.constant 1 : i32
      %shift_right_logical3A_588 = vector.broadcast %shift_right_logical3A : i32 to vector<16xi32>
      %shift_right_logical3A_589 = arith.shrui %bitcast_convert_type3A, %shift_right_logical3A_588 : vector<16xi32>
      %sub3A_590 = arith.constant 1597463007 : i32
      %sub3A_591 = vector.broadcast %sub3A_590 : i32 to vector<16xi32>
      %sub3A_592 = arith.subi %sub3A_591, %shift_right_logical3A_589 : vector<16xi32>
      %bitcast_convert_type3A_593 = tpu.bitcast %sub3A_592 : vector<16xi32> -> vector<16xf32>
      %mul3A_594 = arith.constant 5.000000e-01 : f32
      %mul3A_595 = vector.broadcast %mul3A_594 : f32 to vector<16xf32>
      %mul3A_596 = arith.mulf %mul3A_595, %broadcast_in_dim3A_587 : vector<16xf32>
      %mul3A_597 = arith.mulf %mul3A_596, %bitcast_convert_type3A_593 : vector<16xf32>
      %mul3A_598 = arith.mulf %mul3A_597, %bitcast_convert_type3A_593 : vector<16xf32>
      %sub3A_599 = arith.constant 1.500000e+00 : f32
      %sub3A_600 = vector.broadcast %sub3A_599 : f32 to vector<16xf32>
      %sub3A_601 = arith.subf %sub3A_600, %mul3A_598 : vector<16xf32>
      %mul3A_602 = arith.mulf %bitcast_convert_type3A_593, %sub3A_601 : vector<16xf32>
      %mul3A_603 = arith.constant 5.000000e-01 : f32
      %mul3A_604 = vector.broadcast %mul3A_603 : f32 to vector<16xf32>
      %mul3A_605 = arith.mulf %mul3A_604, %broadcast_in_dim3A_587 : vector<16xf32>
      %mul3A_606 = arith.mulf %mul3A_605, %mul3A_602 : vector<16xf32>
      %mul3A_607 = arith.mulf %mul3A_606, %mul3A_602 : vector<16xf32>
      %sub3A_608 = arith.constant 1.500000e+00 : f32
      %sub3A_609 = vector.broadcast %sub3A_608 : f32 to vector<16xf32>
      %sub3A_610 = arith.subf %sub3A_609, %mul3A_607 : vector<16xf32>
      %mul3A_611 = arith.mulf %mul3A_602, %sub3A_610 : vector<16xf32>
      %mul3A_612 = arith.constant 5.000000e-01 : f32
      %mul3A_613 = vector.broadcast %mul3A_612 : f32 to vector<16xf32>
      %mul3A_614 = arith.mulf %mul3A_613, %broadcast_in_dim3A_587 : vector<16xf32>
      %mul3A_615 = arith.mulf %mul3A_614, %mul3A_611 : vector<16xf32>
      %mul3A_616 = arith.mulf %mul3A_615, %mul3A_611 : vector<16xf32>
      %sub3A_617 = arith.constant 1.500000e+00 : f32
      %sub3A_618 = vector.broadcast %sub3A_617 : f32 to vector<16xf32>
      %sub3A_619 = arith.subf %sub3A_618, %mul3A_616 : vector<16xf32>
      %mul3A_620 = arith.mulf %mul3A_611, %sub3A_619 : vector<16xf32>
      %mul3A_621 = arith.constant 5.000000e-01 : f32
      %mul3A_622 = vector.broadcast %mul3A_621 : f32 to vector<16xf32>
      %mul3A_623 = arith.mulf %mul3A_622, %broadcast_in_dim3A_587 : vector<16xf32>
      %mul3A_624 = arith.mulf %mul3A_623, %mul3A_620 : vector<16xf32>
      %mul3A_625 = arith.mulf %mul3A_624, %mul3A_620 : vector<16xf32>
      %sub3A_626 = arith.constant 1.500000e+00 : f32
      %sub3A_627 = vector.broadcast %sub3A_626 : f32 to vector<16xf32>
      %sub3A_628 = arith.subf %sub3A_627, %mul3A_625 : vector<16xf32>
      %mul3A_629 = arith.mulf %mul3A_620, %sub3A_628 : vector<16xf32>
      %mul3A_630 = arith.mulf %sub3A_519, %mul3A_629 : vector<16xf32>
      %get3A_631 = arith.constant 0 : index
      %get3A_632 = tpu.vector_load %arg16[%get3A_631] {strides = array<i32>} : memref<128xf32, #tpu.memory_space<vmem>>, vector<16xf32>,
      %mul3A_633 = arith.mulf %mul3A_630, %get3A_632 : vector<16xf32>
      %get3A_634 = arith.constant 0 : index
      %get3A_635 = tpu.vector_load %arg17[%get3A_634] {strides = array<i32>} : memref<128xf32, #tpu.memory_space<vmem>>, vector<16xf32>,
      %add3A_636 = arith.addf %mul3A_633, %get3A_635 : vector<16xf32>
      %mul3A_637 = arith.mulf %sub3A_528, %mul3A_629 : vector<16xf32>
      %get3A_638 = arith.constant 16 : index
      %get3A_639 = tpu.vector_load %arg16[%get3A_638] {strides = array<i32>} : memref<128xf32, #tpu.memory_space<vmem>>, vector<16xf32>,
      %mul3A_640 = arith.mulf %mul3A_637, %get3A_639 : vector<16xf32>
      %get3A_641 = arith.constant 16 : index
      %get3A_642 = tpu.vector_load %arg17[%get3A_641] {strides = array<i32>} : memref<128xf32, #tpu.memory_space<vmem>>, vector<16xf32>,
      %add3A_643 = arith.addf %mul3A_640, %get3A_642 : vector<16xf32>
      %mul3A_644 = arith.mulf %sub3A_536, %mul3A_629 : vector<16xf32>
      %get3A_645 = arith.constant 32 : index
      %get3A_646 = tpu.vector_load %arg16[%get3A_645] {strides = array<i32>} : memref<128xf32, #tpu.memory_space<vmem>>, vector<16xf32>,
      %mul3A_647 = arith.mulf %mul3A_644, %get3A_646 : vector<16xf32>
      %get3A_648 = arith.constant 32 : index
      %get3A_649 = tpu.vector_load %arg17[%get3A_648] {strides = array<i32>} : memref<128xf32, #tpu.memory_space<vmem>>, vector<16xf32>,
      %add3A_650 = arith.addf %mul3A_647, %get3A_649 : vector<16xf32>
      %mul3A_651 = arith.mulf %sub3A_544, %mul3A_629 : vector<16xf32>
      %get3A_652 = arith.constant 48 : index
      %get3A_653 = tpu.vector_load %arg16[%get3A_652] {strides = array<i32>} : memref<128xf32, #tpu.memory_space<vmem>>, vector<16xf32>,
      %mul3A_654 = arith.mulf %mul3A_651, %get3A_653 : vector<16xf32>
      %get3A_655 = arith.constant 48 : index
      %get3A_656 = tpu.vector_load %arg17[%get3A_655] {strides = array<i32>} : memref<128xf32, #tpu.memory_space<vmem>>, vector<16xf32>,
      %add3A_657 = arith.addf %mul3A_654, %get3A_656 : vector<16xf32>
      %mul3A_658 = arith.mulf %sub3A_552, %mul3A_629 : vector<16xf32>
      %get3A_659 = arith.constant 64 : index
      %get3A_660 = tpu.vector_load %arg16[%get3A_659] {strides = array<i32>} : memref<128xf32, #tpu.memory_space<vmem>>, vector<16xf32>,
      %mul3A_661 = arith.mulf %mul3A_658, %get3A_660 : vector<16xf32>
      %get3A_662 = arith.constant 64 : index
      %get3A_663 = tpu.vector_load %arg17[%get3A_662] {strides = array<i32>} : memref<128xf32, #tpu.memory_space<vmem>>, vector<16xf32>,
      %add3A_664 = arith.addf %mul3A_661, %get3A_663 : vector<16xf32>
      %mul3A_665 = arith.mulf %sub3A_560, %mul3A_629 : vector<16xf32>
      %get3A_666 = arith.constant 80 : index
      %get3A_667 = tpu.vector_load %arg16[%get3A_666] {strides = array<i32>} : memref<128xf32, #tpu.memory_space<vmem>>, vector<16xf32>,
      %mul3A_668 = arith.mulf %mul3A_665, %get3A_667 : vector<16xf32>
      %get3A_669 = arith.constant 80 : index
      %get3A_670 = tpu.vector_load %arg17[%get3A_669] {strides = array<i32>} : memref<128xf32, #tpu.memory_space<vmem>>, vector<16xf32>,
      %add3A_671 = arith.addf %mul3A_668, %get3A_670 : vector<16xf32>
      %mul3A_672 = arith.mulf %sub3A_568, %mul3A_629 : vector<16xf32>
      %get3A_673 = arith.constant 96 : index
      %get3A_674 = tpu.vector_load %arg16[%get3A_673] {strides = array<i32>} : memref<128xf32, #tpu.memory_space<vmem>>, vector<16xf32>,
      %mul3A_675 = arith.mulf %mul3A_672, %get3A_674 : vector<16xf32>
      %get3A_676 = arith.constant 96 : index
      %get3A_677 = tpu.vector_load %arg17[%get3A_676] {strides = array<i32>} : memref<128xf32, #tpu.memory_space<vmem>>, vector<16xf32>,
      %add3A_678 = arith.addf %mul3A_675, %get3A_677 : vector<16xf32>
      %mul3A_679 = arith.mulf %sub3A_576, %mul3A_629 : vector<16xf32>
      %get3A_680 = arith.constant 112 : index
      %get3A_681 = tpu.vector_load %arg16[%get3A_680] {strides = array<i32>} : memref<128xf32, #tpu.memory_space<vmem>>, vector<16xf32>,
      %mul3A_682 = arith.mulf %mul3A_679, %get3A_681 : vector<16xf32>
      %get3A_683 = arith.constant 112 : index
      %get3A_684 = tpu.vector_load %arg17[%get3A_683] {strides = array<i32>} : memref<128xf32, #tpu.memory_space<vmem>>, vector<16xf32>,
      %add3A_685 = arith.addf %mul3A_682, %get3A_684 : vector<16xf32>
      %broadcast_in_dim3A_686 = arith.constant 0.000000e+00 : f32
      %broadcast_in_dim3A_687 = vector.broadcast %broadcast_in_dim3A_686 : f32 to vector<16xf32>
      %broadcast_in_dim3A_688 = arith.constant 0.000000e+00 : f32
      %broadcast_in_dim3A_689 = vector.broadcast %broadcast_in_dim3A_688 : f32 to vector<16xf32>
      %get3A_690 = arith.constant 0 : index
      %get3A_691 = tpu.vector_load %arg18[%get3A_690] {strides = array<i32>} : memref<512xf32, #tpu.memory_space<vmem>>, vector<16xf32>,
      %mul3A_692 = arith.mulf %add3A_636, %get3A_691 : vector<16xf32>
      %add3A_693 = arith.addf %broadcast_in_dim3A_689, %mul3A_692 : vector<16xf32>
      %get3A_694 = arith.constant 16 : index
      %get3A_695 = tpu.vector_load %arg18[%get3A_694] {strides = array<i32>} : memref<512xf32, #tpu.memory_space<vmem>>, vector<16xf32>,
      %mul3A_696 = arith.mulf %add3A_643, %get3A_695 : vector<16xf32>
      %add3A_697 = arith.addf %add3A_693, %mul3A_696 : vector<16xf32>
      %get3A_698 = arith.constant 32 : index
      %get3A_699 = tpu.vector_load %arg18[%get3A_698] {strides = array<i32>} : memref<512xf32, #tpu.memory_space<vmem>>, vector<16xf32>,
      %mul3A_700 = arith.mulf %add3A_650, %get3A_699 : vector<16xf32>
      %add3A_701 = arith.addf %add3A_697, %mul3A_700 : vector<16xf32>
      %get3A_702 = arith.constant 48 : index
      %get3A_703 = tpu.vector_load %arg18[%get3A_702] {strides = array<i32>} : memref<512xf32, #tpu.memory_space<vmem>>, vector<16xf32>,
      %mul3A_704 = arith.mulf %add3A_657, %get3A_703 : vector<16xf32>
      %add3A_705 = arith.addf %add3A_701, %mul3A_704 : vector<16xf32>
      %get3A_706 = arith.constant 64 : index
      %get3A_707 = tpu.vector_load %arg18[%get3A_706] {strides = array<i32>} : memref<512xf32, #tpu.memory_space<vmem>>, vector<16xf32>,
      %mul3A_708 = arith.mulf %add3A_664, %get3A_707 : vector<16xf32>
      %add3A_709 = arith.addf %add3A_705, %mul3A_708 : vector<16xf32>
      %get3A_710 = arith.constant 80 : index
      %get3A_711 = tpu.vector_load %arg18[%get3A_710] {strides = array<i32>} : memref<512xf32, #tpu.memory_space<vmem>>, vector<16xf32>,
      %mul3A_712 = arith.mulf %add3A_671, %get3A_711 : vector<16xf32>
      %add3A_713 = arith.addf %add3A_709, %mul3A_712 : vector<16xf32>
      %get3A_714 = arith.constant 96 : index
      %get3A_715 = tpu.vector_load %arg18[%get3A_714] {strides = array<i32>} : memref<512xf32, #tpu.memory_space<vmem>>, vector<16xf32>,
      %mul3A_716 = arith.mulf %add3A_678, %get3A_715 : vector<16xf32>
      %add3A_717 = arith.addf %add3A_713, %mul3A_716 : vector<16xf32>
      %get3A_718 = arith.constant 112 : index
      %get3A_719 = tpu.vector_load %arg18[%get3A_718] {strides = array<i32>} : memref<512xf32, #tpu.memory_space<vmem>>, vector<16xf32>,
      %mul3A_720 = arith.mulf %add3A_685, %get3A_719 : vector<16xf32>
      %add3A_721 = arith.addf %add3A_717, %mul3A_720 : vector<16xf32>
      %reduce_sum3A_722 = arith.constant true
      %reduce_sum3A_723 = vector.broadcast %reduce_sum3A_722 : i1 to vector<16xi1>
      %reduce_sum3A_724 = tpu.scan <sum>, %add3A_721 masked %reduce_sum3A_723 : vector<16xf32>, vector<16xi1> -> vector<16xf32>
      %reduce_sum3A_725 = vector.extract %reduce_sum3A_724[15] : f32 from vector<16xf32>
      %eq3A_726 = arith.constant 0 : i32
      %eq3A_727 = vector.broadcast %eq3A_726 : i32 to vector<16xi32>
      %eq3A_728 = arith.cmpi eq, %iota3A, %eq3A_727 : vector<16xi32>
      %broadcast_in_dim3A_729 = vector.broadcast %reduce_sum3A_725 : f32 to vector<16xf32>
      %select_n3A_730 = arith.select %eq3A_728, %broadcast_in_dim3A_729, %broadcast_in_dim3A_687 : vector<16xi1>, vector<16xf32>
      %broadcast_in_dim3A_731 = arith.constant 0.000000e+00 : f32
      %broadcast_in_dim3A_732 = vector.broadcast %broadcast_in_dim3A_731 : f32 to vector<16xf32>
      %get3A_733 = arith.constant 128 : index
      %get3A_734 = tpu.vector_load %arg18[%get3A_733] {strides = array<i32>} : memref<512xf32, #tpu.memory_space<vmem>>, vector<16xf32>,
      %mul3A_735 = arith.mulf %add3A_636, %get3A_734 : vector<16xf32>
      %add3A_736 = arith.addf %broadcast_in_dim3A_732, %mul3A_735 : vector<16xf32>
      %get3A_737 = arith.constant 144 : index
      %get3A_738 = tpu.vector_load %arg18[%get3A_737] {strides = array<i32>} : memref<512xf32, #tpu.memory_space<vmem>>, vector<16xf32>,
      %mul3A_739 = arith.mulf %add3A_643, %get3A_738 : vector<16xf32>
      %add3A_740 = arith.addf %add3A_736, %mul3A_739 : vector<16xf32>
      %get3A_741 = arith.constant 160 : index
      %get3A_742 = tpu.vector_load %arg18[%get3A_741] {strides = array<i32>} : memref<512xf32, #tpu.memory_space<vmem>>, vector<16xf32>,
      %mul3A_743 = arith.mulf %add3A_650, %get3A_742 : vector<16xf32>
      %add3A_744 = arith.addf %add3A_740, %mul3A_743 : vector<16xf32>
      %get3A_745 = arith.constant 176 : index
      %get3A_746 = tpu.vector_load %arg18[%get3A_745] {strides = array<i32>} : memref<512xf32, #tpu.memory_space<vmem>>, vector<16xf32>,
      %mul3A_747 = arith.mulf %add3A_657, %get3A_746 : vector<16xf32>
      %add3A_748 = arith.addf %add3A_744, %mul3A_747 : vector<16xf32>
      %get3A_749 = arith.constant 192 : index
      %get3A_750 = tpu.vector_load %arg18[%get3A_749] {strides = array<i32>} : memref<512xf32, #tpu.memory_space<vmem>>, vector<16xf32>,
      %mul3A_751 = arith.mulf %add3A_664, %get3A_750 : vector<16xf32>
      %add3A_752 = arith.addf %add3A_748, %mul3A_751 : vector<16xf32>
      %get3A_753 = arith.constant 208 : index
      %get3A_754 = tpu.vector_load %arg18[%get3A_753] {strides = array<i32>} : memref<512xf32, #tpu.memory_space<vmem>>, vector<16xf32>,
      %mul3A_755 = arith.mulf %add3A_671, %get3A_754 : vector<16xf32>
      %add3A_756 = arith.addf %add3A_752, %mul3A_755 : vector<16xf32>
      %get3A_757 = arith.constant 224 : index
      %get3A_758 = tpu.vector_load %arg18[%get3A_757] {strides = array<i32>} : memref<512xf32, #tpu.memory_space<vmem>>, vector<16xf32>,
      %mul3A_759 = arith.mulf %add3A_678, %get3A_758 : vector<16xf32>
      %add3A_760 = arith.addf %add3A_756, %mul3A_759 : vector<16xf32>
      %get3A_761 = arith.constant 240 : index
      %get3A_762 = tpu.vector_load %arg18[%get3A_761] {strides = array<i32>} : memref<512xf32, #tpu.memory_space<vmem>>, vector<16xf32>,
      %mul3A_763 = arith.mulf %add3A_685, %get3A_762 : vector<16xf32>
      %add3A_764 = arith.addf %add3A_760, %mul3A_763 : vector<16xf32>
      %reduce_sum3A_765 = arith.constant true
      %reduce_sum3A_766 = vector.broadcast %reduce_sum3A_765 : i1 to vector<16xi1>
      %reduce_sum3A_767 = tpu.scan <sum>, %add3A_764 masked %reduce_sum3A_766 : vector<16xf32>, vector<16xi1> -> vector<16xf32>
      %reduce_sum3A_768 = vector.extract %reduce_sum3A_767[15] : f32 from vector<16xf32>
      %eq3A_769 = arith.constant 1 : i32
      %eq3A_770 = vector.broadcast %eq3A_769 : i32 to vector<16xi32>
      %eq3A_771 = arith.cmpi eq, %iota3A, %eq3A_770 : vector<16xi32>
      %broadcast_in_dim3A_772 = vector.broadcast %reduce_sum3A_768 : f32 to vector<16xf32>
      %select_n3A_773 = arith.select %eq3A_771, %broadcast_in_dim3A_772, %select_n3A_730 : vector<16xi1>, vector<16xf32>
      %broadcast_in_dim3A_774 = arith.constant 0.000000e+00 : f32
      %broadcast_in_dim3A_775 = vector.broadcast %broadcast_in_dim3A_774 : f32 to vector<16xf32>
      %get3A_776 = arith.constant 256 : index
      %get3A_777 = tpu.vector_load %arg18[%get3A_776] {strides = array<i32>} : memref<512xf32, #tpu.memory_space<vmem>>, vector<16xf32>,
      %mul3A_778 = arith.mulf %add3A_636, %get3A_777 : vector<16xf32>
      %add3A_779 = arith.addf %broadcast_in_dim3A_775, %mul3A_778 : vector<16xf32>
      %get3A_780 = arith.constant 272 : index
      %get3A_781 = tpu.vector_load %arg18[%get3A_780] {strides = array<i32>} : memref<512xf32, #tpu.memory_space<vmem>>, vector<16xf32>,
      %mul3A_782 = arith.mulf %add3A_643, %get3A_781 : vector<16xf32>
      %add3A_783 = arith.addf %add3A_779, %mul3A_782 : vector<16xf32>
      %get3A_784 = arith.constant 288 : index
      %get3A_785 = tpu.vector_load %arg18[%get3A_784] {strides = array<i32>} : memref<512xf32, #tpu.memory_space<vmem>>, vector<16xf32>,
      %mul3A_786 = arith.mulf %add3A_650, %get3A_785 : vector<16xf32>
      %add3A_787 = arith.addf %add3A_783, %mul3A_786 : vector<16xf32>
      %get3A_788 = arith.constant 304 : index
      %get3A_789 = tpu.vector_load %arg18[%get3A_788] {strides = array<i32>} : memref<512xf32, #tpu.memory_space<vmem>>, vector<16xf32>,
      %mul3A_790 = arith.mulf %add3A_657, %get3A_789 : vector<16xf32>
      %add3A_791 = arith.addf %add3A_787, %mul3A_790 : vector<16xf32>
      %get3A_792 = arith.constant 320 : index
      %get3A_793 = tpu.vector_load %arg18[%get3A_792] {strides = array<i32>} : memref<512xf32, #tpu.memory_space<vmem>>, vector<16xf32>,
      %mul3A_794 = arith.mulf %add3A_664, %get3A_793 : vector<16xf32>
      %add3A_795 = arith.addf %add3A_791, %mul3A_794 : vector<16xf32>
      %get3A_796 = arith.constant 336 : index
      %get3A_797 = tpu.vector_load %arg18[%get3A_796] {strides = array<i32>} : memref<512xf32, #tpu.memory_space<vmem>>, vector<16xf32>,
      %mul3A_798 = arith.mulf %add3A_671, %get3A_797 : vector<16xf32>
      %add3A_799 = arith.addf %add3A_795, %mul3A_798 : vector<16xf32>
      %get3A_800 = arith.constant 352 : index
      %get3A_801 = tpu.vector_load %arg18[%get3A_800] {strides = array<i32>} : memref<512xf32, #tpu.memory_space<vmem>>, vector<16xf32>,
      %mul3A_802 = arith.mulf %add3A_678, %get3A_801 : vector<16xf32>
      %add3A_803 = arith.addf %add3A_799, %mul3A_802 : vector<16xf32>
      %get3A_804 = arith.constant 368 : index
      %get3A_805 = tpu.vector_load %arg18[%get3A_804] {strides = array<i32>} : memref<512xf32, #tpu.memory_space<vmem>>, vector<16xf32>,
      %mul3A_806 = arith.mulf %add3A_685, %get3A_805 : vector<16xf32>
      %add3A_807 = arith.addf %add3A_803, %mul3A_806 : vector<16xf32>
      %reduce_sum3A_808 = arith.constant true
      %reduce_sum3A_809 = vector.broadcast %reduce_sum3A_808 : i1 to vector<16xi1>
      %reduce_sum3A_810 = tpu.scan <sum>, %add3A_807 masked %reduce_sum3A_809 : vector<16xf32>, vector<16xi1> -> vector<16xf32>
      %reduce_sum3A_811 = vector.extract %reduce_sum3A_810[15] : f32 from vector<16xf32>
      %eq3A_812 = arith.constant 2 : i32
      %eq3A_813 = vector.broadcast %eq3A_812 : i32 to vector<16xi32>
      %eq3A_814 = arith.cmpi eq, %iota3A, %eq3A_813 : vector<16xi32>
      %broadcast_in_dim3A_815 = vector.broadcast %reduce_sum3A_811 : f32 to vector<16xf32>
      %select_n3A_816 = arith.select %eq3A_814, %broadcast_in_dim3A_815, %select_n3A_773 : vector<16xi1>, vector<16xf32>
      %broadcast_in_dim3A_817 = arith.constant 0.000000e+00 : f32
      %broadcast_in_dim3A_818 = vector.broadcast %broadcast_in_dim3A_817 : f32 to vector<16xf32>
      %get3A_819 = arith.constant 384 : index
      %get3A_820 = tpu.vector_load %arg18[%get3A_819] {strides = array<i32>} : memref<512xf32, #tpu.memory_space<vmem>>, vector<16xf32>,
      %mul3A_821 = arith.mulf %add3A_636, %get3A_820 : vector<16xf32>
      %add3A_822 = arith.addf %broadcast_in_dim3A_818, %mul3A_821 : vector<16xf32>
      %get3A_823 = arith.constant 400 : index
      %get3A_824 = tpu.vector_load %arg18[%get3A_823] {strides = array<i32>} : memref<512xf32, #tpu.memory_space<vmem>>, vector<16xf32>,
      %mul3A_825 = arith.mulf %add3A_643, %get3A_824 : vector<16xf32>
      %add3A_826 = arith.addf %add3A_822, %mul3A_825 : vector<16xf32>
      %get3A_827 = arith.constant 416 : index
      %get3A_828 = tpu.vector_load %arg18[%get3A_827] {strides = array<i32>} : memref<512xf32, #tpu.memory_space<vmem>>, vector<16xf32>,
      %mul3A_829 = arith.mulf %add3A_650, %get3A_828 : vector<16xf32>
      %add3A_830 = arith.addf %add3A_826, %mul3A_829 : vector<16xf32>
      %get3A_831 = arith.constant 432 : index
      %get3A_832 = tpu.vector_load %arg18[%get3A_831] {strides = array<i32>} : memref<512xf32, #tpu.memory_space<vmem>>, vector<16xf32>,
      %mul3A_833 = arith.mulf %add3A_657, %get3A_832 : vector<16xf32>
      %add3A_834 = arith.addf %add3A_830, %mul3A_833 : vector<16xf32>
      %get3A_835 = arith.constant 448 : index
      %get3A_836 = tpu.vector_load %arg18[%get3A_835] {strides = array<i32>} : memref<512xf32, #tpu.memory_space<vmem>>, vector<16xf32>,
      %mul3A_837 = arith.mulf %add3A_664, %get3A_836 : vector<16xf32>
      %add3A_838 = arith.addf %add3A_834, %mul3A_837 : vector<16xf32>
      %get3A_839 = arith.constant 464 : index
      %get3A_840 = tpu.vector_load %arg18[%get3A_839] {strides = array<i32>} : memref<512xf32, #tpu.memory_space<vmem>>, vector<16xf32>,
      %mul3A_841 = arith.mulf %add3A_671, %get3A_840 : vector<16xf32>
      %add3A_842 = arith.addf %add3A_838, %mul3A_841 : vector<16xf32>
      %get3A_843 = arith.constant 480 : index
      %get3A_844 = tpu.vector_load %arg18[%get3A_843] {strides = array<i32>} : memref<512xf32, #tpu.memory_space<vmem>>, vector<16xf32>,
      %mul3A_845 = arith.mulf %add3A_678, %get3A_844 : vector<16xf32>
      %add3A_846 = arith.addf %add3A_842, %mul3A_845 : vector<16xf32>
      %get3A_847 = arith.constant 496 : index
      %get3A_848 = tpu.vector_load %arg18[%get3A_847] {strides = array<i32>} : memref<512xf32, #tpu.memory_space<vmem>>, vector<16xf32>,
      %mul3A_849 = arith.mulf %add3A_685, %get3A_848 : vector<16xf32>
      %add3A_850 = arith.addf %add3A_846, %mul3A_849 : vector<16xf32>
      %reduce_sum3A_851 = arith.constant true
      %reduce_sum3A_852 = vector.broadcast %reduce_sum3A_851 : i1 to vector<16xi1>
      %reduce_sum3A_853 = tpu.scan <sum>, %add3A_850 masked %reduce_sum3A_852 : vector<16xf32>, vector<16xi1> -> vector<16xf32>
      %reduce_sum3A_854 = vector.extract %reduce_sum3A_853[15] : f32 from vector<16xf32>
      %eq3A_855 = arith.constant 3 : i32
      %eq3A_856 = vector.broadcast %eq3A_855 : i32 to vector<16xi32>
      %eq3A_857 = arith.cmpi eq, %iota3A, %eq3A_856 : vector<16xi32>
      %broadcast_in_dim3A_858 = vector.broadcast %reduce_sum3A_854 : f32 to vector<16xf32>
      %select_n3A_859 = arith.select %eq3A_857, %broadcast_in_dim3A_858, %select_n3A_816 : vector<16xi1>, vector<16xf32>
      %swap3A_860 = arith.constant 0 : index
      %swap3A_861 = tpu.vector_load %arg22[%swap3A_860] {strides = array<i32>} : memref<16xf32, #tpu.memory_space<vmem>>, vector<16xf32>,
      tpu.vector_store %arg22[%swap3A_860], %select_n3A_859 {strides = array<i32>} : memref<16xf32, #tpu.memory_space<vmem>>, vector<16xf32>,
      %mul3A_862 = arith.constant 16 : i32
      %mul3A_863 = arith.muli %arg1, %mul3A_862 : i32
      "tpu.region"() ({
        %run_scoped3A = tpu.sem_alloc : memref<!tpu.dma_semaphore, #tpu.memory_space<semaphore_mem>>
        %dma_start3A_870 = tpu.memref_slice %arg24[%mul3A_863] : memref<256xf32, #tpu.memory_space<vmem_shared>> -> memref<16xf32, #tpu.memory_space<vmem_shared>>
        %dma_start3A_871 = tpu.memref_slice %arg24[%mul3A_863] : memref<256xf32, #tpu.memory_space<vmem_shared>> -> memref<16xf32, #tpu.memory_space<vmem_shared>>
        tpu.enqueue_dma source(%arg22 : memref<16xf32, #tpu.memory_space<vmem>>) target(%dma_start3A_871 : memref<16xf32, #tpu.memory_space<vmem_shared>>) target_semaphore(%run_scoped3A : memref<!tpu.dma_semaphore, #tpu.memory_space<semaphore_mem>>)
        %dma_wait3A_872 = tpu.memref_slice %arg24[%mul3A_863] : memref<256xf32, #tpu.memory_space<vmem_shared>> -> memref<16xf32, #tpu.memory_space<vmem_shared>>
        %dma_wait3A_873 = tpu.memref_slice %arg24[%mul3A_863] : memref<256xf32, #tpu.memory_space<vmem_shared>> -> memref<16xf32, #tpu.memory_space<vmem_shared>>
        tpu.wait_dma2 semaphore(%run_scoped3A : memref<!tpu.dma_semaphore, #tpu.memory_space<semaphore_mem>>) src(%arg22 : memref<16xf32, #tpu.memory_space<vmem>>) dst(%dma_wait3A_873 : memref<16xf32, #tpu.memory_space<vmem_shared>>)
        tpu.yield
      }) : () -> ()
      %barrier3A_864 = arith.constant 0 : index
      tpu.barrier barrier_id(%barrier3A_864)
      %eq3A_865 = arith.constant 0 : i32
      %eq3A_866 = arith.cmpi eq, %arg1, %eq3A_865 : i32
      %convert_element_type3A_867 = arith.extui %eq3A_866 : i1 to i32
      %cond3A_868 = arith.constant 0 : i32
      %cond3A_869 = arith.cmpi ne, %convert_element_type3A_867, %cond3A_868 : i32
      scf.if %cond3A_869 {
        "tpu.region"() ({
          %run_scoped3A_1010 = tpu.sem_alloc : memref<!tpu.dma_semaphore, #tpu.memory_space<semaphore_mem>>
          tpu.enqueue_dma source(%arg24 : memref<256xf32, #tpu.memory_space<vmem_shared>>) target(%arg19 : memref<256xf32, #tpu.memory_space<vmem>>) target_semaphore(%run_scoped3A_1010 : memref<!tpu.dma_semaphore, #tpu.memory_space<semaphore_mem>>)
          tpu.wait_dma2 semaphore(%run_scoped3A_1010 : memref<!tpu.dma_semaphore, #tpu.memory_space<semaphore_mem>>) src(%arg24 : memref<256xf32, #tpu.memory_space<vmem_shared>>) dst(%arg19 : memref<256xf32, #tpu.memory_space<vmem>>)
          tpu.yield
        }) : () -> ()
        %shift_right_arithmetic3A_870 = arith.constant 2 : i32
        %shift_right_arithmetic3A_871 = vector.broadcast %shift_right_arithmetic3A_870 : i32 to vector<16xi32>
        %shift_right_arithmetic3A_872 = arith.shrsi %iota3A, %shift_right_arithmetic3A_871 : vector<16xi32>
        %mul3A_873 = arith.constant 16 : i32
        %mul3A_874 = vector.broadcast %mul3A_873 : i32 to vector<16xi32>
        %mul3A_875 = arith.muli %shift_right_arithmetic3A_872, %mul3A_874 : vector<16xi32>
        %and3A_876 = arith.constant 3 : i32
        %and3A_877 = vector.broadcast %and3A_876 : i32 to vector<16xi32>
        %and3A_878 = arith.andi %iota3A, %and3A_877 : vector<16xi32>
        %add3A_879 = arith.addi %mul3A_875, %and3A_878 : vector<16xi32>
        %add3A_880 = arith.constant 0 : i32
        %add3A_881 = vector.broadcast %add3A_880 : i32 to vector<16xi32>
        %add3A_882 = arith.addi %add3A_881, %add3A_879 : vector<16xi32>
        %gather3A_883 = tpu.vector_load_idx %arg19[%add3A_882] : memref<256xf32, #tpu.memory_space<vmem>>[vector<16xi32>], vector<16xf32>,
        %get3A_884 = arith.constant 0 : index
        %get3A_885 = tpu.vector_load %arg20[%get3A_884] {strides = array<i32>} : memref<64xf32, #tpu.memory_space<vmem>>, vector<16xf32>,
        %add3A_886 = arith.addf %gather3A_883, %get3A_885 : vector<16xf32>
        %add3A_887 = arith.constant 64 : i32
        %add3A_888 = vector.broadcast %add3A_887 : i32 to vector<16xi32>
        %add3A_889 = arith.addi %add3A_888, %add3A_879 : vector<16xi32>
        %gather3A_890 = tpu.vector_load_idx %arg19[%add3A_889] : memref<256xf32, #tpu.memory_space<vmem>>[vector<16xi32>], vector<16xf32>,
        %get3A_891 = arith.constant 16 : index
        %get3A_892 = tpu.vector_load %arg20[%get3A_891] {strides = array<i32>} : memref<64xf32, #tpu.memory_space<vmem>>, vector<16xf32>,
        %add3A_893 = arith.addf %gather3A_890, %get3A_892 : vector<16xf32>
        %add3A_894 = arith.constant 128 : i32
        %add3A_895 = vector.broadcast %add3A_894 : i32 to vector<16xi32>
        %add3A_896 = arith.addi %add3A_895, %add3A_879 : vector<16xi32>
        %gather3A_897 = tpu.vector_load_idx %arg19[%add3A_896] : memref<256xf32, #tpu.memory_space<vmem>>[vector<16xi32>], vector<16xf32>,
        %get3A_898 = arith.constant 32 : index
        %get3A_899 = tpu.vector_load %arg20[%get3A_898] {strides = array<i32>} : memref<64xf32, #tpu.memory_space<vmem>>, vector<16xf32>,
        %add3A_900 = arith.addf %gather3A_897, %get3A_899 : vector<16xf32>
        %add3A_901 = arith.constant 192 : i32
        %add3A_902 = vector.broadcast %add3A_901 : i32 to vector<16xi32>
        %add3A_903 = arith.addi %add3A_902, %add3A_879 : vector<16xi32>
        %gather3A_904 = tpu.vector_load_idx %arg19[%add3A_903] : memref<256xf32, #tpu.memory_space<vmem>>[vector<16xi32>], vector<16xf32>,
        %get3A_905 = arith.constant 48 : index
        %get3A_906 = tpu.vector_load %arg20[%get3A_905] {strides = array<i32>} : memref<64xf32, #tpu.memory_space<vmem>>, vector<16xf32>,
        %add3A_907 = arith.addf %gather3A_904, %get3A_906 : vector<16xf32>
        %max3A = arith.maximumf %add3A_886, %add3A_893 : vector<16xf32>
        %max3A_908 = arith.maximumf %add3A_900, %add3A_907 : vector<16xf32>
        %max3A_909 = arith.maximumf %max3A, %max3A_908 : vector<16xf32>
        %reduce_max3A = arith.constant true
        %reduce_max3A_910 = vector.broadcast %reduce_max3A : i1 to vector<16xi1>
        %reduce_max3A_911 = tpu.scan <max>, %max3A_909 masked %reduce_max3A_910 : vector<16xf32>, vector<16xi1> -> vector<16xf32>
        %reduce_max3A_912 = vector.extract %reduce_max3A_911[15] : f32 from vector<16xf32>
        %broadcast_in_dim3A_913 = vector.broadcast %reduce_max3A_912 : f32 to vector<16xf32>
        %broadcast_in_dim3A_914 = arith.constant 0 : i32
        %broadcast_in_dim3A_915 = vector.broadcast %broadcast_in_dim3A_914 : i32 to vector<16xi32>
        %broadcast_in_dim3A_916 = arith.constant -3.000000e+38 : f32
        %broadcast_in_dim3A_917 = vector.broadcast %broadcast_in_dim3A_916 : f32 to vector<16xf32>
        %eq3A_918 = arith.cmpf oeq, %add3A_886, %broadcast_in_dim3A_913 : vector<16xf32>
        %all_reduce_population_count3A = tpu.all_reduce %eq3A_918 {dim = 0 : i64, kind = #tpu.reduction_kind<sum>} : vector<16xi1> -> vector<16xi32>
        %add3A_919 = arith.addi %broadcast_in_dim3A_915, %all_reduce_population_count3A : vector<16xi32>
        %jit3A_920 = arith.constant -3.000000e+38 : f32
        %broadcast_in_dim3A_921 = vector.broadcast %jit3A_920 : f32 to vector<16xf32>
        %select_n3A_922 = arith.select %eq3A_918, %broadcast_in_dim3A_921, %add3A_886 : vector<16xi1>, vector<16xf32>
        %max3A_923 = arith.maximumf %broadcast_in_dim3A_917, %select_n3A_922 : vector<16xf32>
        %eq3A_924 = arith.cmpf oeq, %add3A_893, %broadcast_in_dim3A_913 : vector<16xf32>
        %all_reduce_population_count3A_925 = tpu.all_reduce %eq3A_924 {dim = 0 : i64, kind = #tpu.reduction_kind<sum>} : vector<16xi1> -> vector<16xi32>
        %add3A_926 = arith.addi %add3A_919, %all_reduce_population_count3A_925 : vector<16xi32>
        %jit3A_927 = arith.constant -3.000000e+38 : f32
        %broadcast_in_dim3A_928 = vector.broadcast %jit3A_927 : f32 to vector<16xf32>
        %select_n3A_929 = arith.select %eq3A_924, %broadcast_in_dim3A_928, %add3A_893 : vector<16xi1>, vector<16xf32>
        %max3A_930 = arith.maximumf %max3A_923, %select_n3A_929 : vector<16xf32>
        %eq3A_931 = arith.cmpf oeq, %add3A_900, %broadcast_in_dim3A_913 : vector<16xf32>
        %all_reduce_population_count3A_932 = tpu.all_reduce %eq3A_931 {dim = 0 : i64, kind = #tpu.reduction_kind<sum>} : vector<16xi1> -> vector<16xi32>
        %add3A_933 = arith.addi %add3A_926, %all_reduce_population_count3A_932 : vector<16xi32>
        %jit3A_934 = arith.constant -3.000000e+38 : f32
        %broadcast_in_dim3A_935 = vector.broadcast %jit3A_934 : f32 to vector<16xf32>
        %select_n3A_936 = arith.select %eq3A_931, %broadcast_in_dim3A_935, %add3A_900 : vector<16xi1>, vector<16xf32>
        %max3A_937 = arith.maximumf %max3A_930, %select_n3A_936 : vector<16xf32>
        %eq3A_938 = arith.cmpf oeq, %add3A_907, %broadcast_in_dim3A_913 : vector<16xf32>
        %all_reduce_population_count3A_939 = tpu.all_reduce %eq3A_938 {dim = 0 : i64, kind = #tpu.reduction_kind<sum>} : vector<16xi1> -> vector<16xi32>
        %add3A_940 = arith.addi %add3A_933, %all_reduce_population_count3A_939 : vector<16xi32>
        %jit3A_941 = arith.constant -3.000000e+38 : f32
        %broadcast_in_dim3A_942 = vector.broadcast %jit3A_941 : f32 to vector<16xf32>
        %select_n3A_943 = arith.select %eq3A_938, %broadcast_in_dim3A_942, %add3A_907 : vector<16xi1>, vector<16xf32>
        %max3A_944 = arith.maximumf %max3A_937, %select_n3A_943 : vector<16xf32>
        %reduce_max3A_945 = arith.constant true
        %reduce_max3A_946 = vector.broadcast %reduce_max3A_945 : i1 to vector<16xi1>
        %reduce_max3A_947 = tpu.scan <max>, %max3A_944 masked %reduce_max3A_946 : vector<16xf32>, vector<16xi1> -> vector<16xf32>
        %reduce_max3A_948 = vector.extract %reduce_max3A_947[15] : f32 from vector<16xf32>
        %ge3A_949 = arith.constant 2 : i32
        %ge3A_950 = vector.broadcast %ge3A_949 : i32 to vector<16xi32>
        %ge3A_951 = arith.cmpi sge, %add3A_940, %ge3A_950 : vector<16xi32>
        %broadcast_in_dim3A_952 = vector.broadcast %reduce_max3A_948 : f32 to vector<16xf32>
        %select_n3A_953 = arith.select %ge3A_951, %broadcast_in_dim3A_913, %broadcast_in_dim3A_952 : vector<16xi1>, vector<16xf32>
        %ge3A_954 = arith.cmpf oge, %add3A_886, %select_n3A_953 : vector<16xf32>
        %sub3A_955 = arith.subf %add3A_886, %broadcast_in_dim3A_913 : vector<16xf32>
        %exp3A = math.exp %sub3A_955 : vector<16xf32>
        %jit3A_956 = arith.constant 0.000000e+00 : f32
        %broadcast_in_dim3A_957 = vector.broadcast %jit3A_956 : f32 to vector<16xf32>
        %select_n3A_958 = arith.select %ge3A_954, %exp3A, %broadcast_in_dim3A_957 : vector<16xi1>, vector<16xf32>
        %reduce_sum3A_959 = arith.constant true
        %reduce_sum3A_960 = vector.broadcast %reduce_sum3A_959 : i1 to vector<16xi1>
        %reduce_sum3A_961 = tpu.scan <sum>, %select_n3A_958 masked %reduce_sum3A_960 : vector<16xf32>, vector<16xi1> -> vector<16xf32>
        %reduce_sum3A_962 = vector.extract %reduce_sum3A_961[15] : f32 from vector<16xf32>
        %add3A_963 = arith.constant 0.000000e+00 : f32
        %add3A_964 = arith.addf %add3A_963, %reduce_sum3A_962 : f32
        %ge3A_965 = arith.cmpf oge, %add3A_893, %select_n3A_953 : vector<16xf32>
        %sub3A_966 = arith.subf %add3A_893, %broadcast_in_dim3A_913 : vector<16xf32>
        %exp3A_967 = math.exp %sub3A_966 : vector<16xf32>
        %jit3A_968 = arith.constant 0.000000e+00 : f32
        %broadcast_in_dim3A_969 = vector.broadcast %jit3A_968 : f32 to vector<16xf32>
        %select_n3A_970 = arith.select %ge3A_965, %exp3A_967, %broadcast_in_dim3A_969 : vector<16xi1>, vector<16xf32>
        %reduce_sum3A_971 = arith.constant true
        %reduce_sum3A_972 = vector.broadcast %reduce_sum3A_971 : i1 to vector<16xi1>
        %reduce_sum3A_973 = tpu.scan <sum>, %select_n3A_970 masked %reduce_sum3A_972 : vector<16xf32>, vector<16xi1> -> vector<16xf32>
        %reduce_sum3A_974 = vector.extract %reduce_sum3A_973[15] : f32 from vector<16xf32>
        %add3A_975 = arith.addf %add3A_964, %reduce_sum3A_974 : f32
        %ge3A_976 = arith.cmpf oge, %add3A_900, %select_n3A_953 : vector<16xf32>
        %sub3A_977 = arith.subf %add3A_900, %broadcast_in_dim3A_913 : vector<16xf32>
        %exp3A_978 = math.exp %sub3A_977 : vector<16xf32>
        %jit3A_979 = arith.constant 0.000000e+00 : f32
        %broadcast_in_dim3A_980 = vector.broadcast %jit3A_979 : f32 to vector<16xf32>
        %select_n3A_981 = arith.select %ge3A_976, %exp3A_978, %broadcast_in_dim3A_980 : vector<16xi1>, vector<16xf32>
        %reduce_sum3A_982 = arith.constant true
        %reduce_sum3A_983 = vector.broadcast %reduce_sum3A_982 : i1 to vector<16xi1>
        %reduce_sum3A_984 = tpu.scan <sum>, %select_n3A_981 masked %reduce_sum3A_983 : vector<16xf32>, vector<16xi1> -> vector<16xf32>
        %reduce_sum3A_985 = vector.extract %reduce_sum3A_984[15] : f32 from vector<16xf32>
        %add3A_986 = arith.addf %add3A_975, %reduce_sum3A_985 : f32
        %ge3A_987 = arith.cmpf oge, %add3A_907, %select_n3A_953 : vector<16xf32>
        %sub3A_988 = arith.subf %add3A_907, %broadcast_in_dim3A_913 : vector<16xf32>
        %exp3A_989 = math.exp %sub3A_988 : vector<16xf32>
        %jit3A_990 = arith.constant 0.000000e+00 : f32
        %broadcast_in_dim3A_991 = vector.broadcast %jit3A_990 : f32 to vector<16xf32>
        %select_n3A_992 = arith.select %ge3A_987, %exp3A_989, %broadcast_in_dim3A_991 : vector<16xi1>, vector<16xf32>
        %reduce_sum3A_993 = arith.constant true
        %reduce_sum3A_994 = vector.broadcast %reduce_sum3A_993 : i1 to vector<16xi1>
        %reduce_sum3A_995 = tpu.scan <sum>, %select_n3A_992 masked %reduce_sum3A_994 : vector<16xf32>, vector<16xi1> -> vector<16xf32>
        %reduce_sum3A_996 = vector.extract %reduce_sum3A_995[15] : f32 from vector<16xf32>
        %add3A_997 = arith.addf %add3A_986, %reduce_sum3A_996 : f32
        %broadcast_in_dim3A_998 = vector.broadcast %add3A_997 : f32 to vector<16xf32>
        %div3A = arith.divf %select_n3A_958, %broadcast_in_dim3A_998 : vector<16xf32>
        %swap3A_999 = arith.constant 0 : index
        %swap3A_1000 = tpu.vector_load %arg21[%swap3A_999] {strides = array<i32>} : memref<64xf32, #tpu.memory_space<vmem>>, vector<16xf32>,
        tpu.vector_store %arg21[%swap3A_999], %div3A {strides = array<i32>} : memref<64xf32, #tpu.memory_space<vmem>>, vector<16xf32>,
        %div3A_1001 = arith.divf %select_n3A_970, %broadcast_in_dim3A_998 : vector<16xf32>
        %swap3A_1002 = arith.constant 16 : index
        %swap3A_1003 = tpu.vector_load %arg21[%swap3A_1002] {strides = array<i32>} : memref<64xf32, #tpu.memory_space<vmem>>, vector<16xf32>,
        tpu.vector_store %arg21[%swap3A_1002], %div3A_1001 {strides = array<i32>} : memref<64xf32, #tpu.memory_space<vmem>>, vector<16xf32>,
        %div3A_1004 = arith.divf %select_n3A_981, %broadcast_in_dim3A_998 : vector<16xf32>
        %swap3A_1005 = arith.constant 32 : index
        %swap3A_1006 = tpu.vector_load %arg21[%swap3A_1005] {strides = array<i32>} : memref<64xf32, #tpu.memory_space<vmem>>, vector<16xf32>,
        tpu.vector_store %arg21[%swap3A_1005], %div3A_1004 {strides = array<i32>} : memref<64xf32, #tpu.memory_space<vmem>>, vector<16xf32>,
        %div3A_1007 = arith.divf %select_n3A_992, %broadcast_in_dim3A_998 : vector<16xf32>
        %swap3A_1008 = arith.constant 48 : index
        %swap3A_1009 = tpu.vector_load %arg21[%swap3A_1008] {strides = array<i32>} : memref<64xf32, #tpu.memory_space<vmem>>, vector<16xf32>,
        tpu.vector_store %arg21[%swap3A_1008], %div3A_1007 {strides = array<i32>} : memref<64xf32, #tpu.memory_space<vmem>>, vector<16xf32>,
        %run_scoped3A = arith.constant 0 : i32
        "tpu.region"() ({
          %run_scoped3A_1010 = tpu.sem_alloc : memref<!tpu.dma_semaphore, #tpu.memory_space<semaphore_mem>>
          %dma_start3A_1011 = arith.constant 0 : i32
          %dma_start3A_1012 = tpu.memref_slice %arg10[%run_scoped3A, %dma_start3A_1011] : memref<1x64xf32, #tpu.memory_space<hbm>> -> memref<1x64xf32, #tpu.memory_space<hbm>>
          %dma_start3A_1013 = tpu.memref_squeeze %dma_start3A_1012 : memref<1x64xf32, #tpu.memory_space<hbm>> -> memref<64xf32, #tpu.memory_space<hbm>>
          %dma_start3A_1014 = arith.constant 0 : i32
          %dma_start3A_1015 = tpu.memref_slice %arg10[%run_scoped3A, %dma_start3A_1014] : memref<1x64xf32, #tpu.memory_space<hbm>> -> memref<1x64xf32, #tpu.memory_space<hbm>>
          %dma_start3A_1016 = tpu.memref_squeeze %dma_start3A_1015 : memref<1x64xf32, #tpu.memory_space<hbm>> -> memref<64xf32, #tpu.memory_space<hbm>>
          tpu.enqueue_dma source(%arg21 : memref<64xf32, #tpu.memory_space<vmem>>) target(%dma_start3A_1016 : memref<64xf32, #tpu.memory_space<hbm>>) target_semaphore(%run_scoped3A_1010 : memref<!tpu.dma_semaphore, #tpu.memory_space<semaphore_mem>>)
          %dma_wait3A_1017 = arith.constant 0 : i32
          %dma_wait3A_1018 = tpu.memref_slice %arg10[%run_scoped3A, %dma_wait3A_1017] : memref<1x64xf32, #tpu.memory_space<hbm>> -> memref<1x64xf32, #tpu.memory_space<hbm>>
          %dma_wait3A_1019 = tpu.memref_squeeze %dma_wait3A_1018 : memref<1x64xf32, #tpu.memory_space<hbm>> -> memref<64xf32, #tpu.memory_space<hbm>>
          %dma_wait3A_1020 = arith.constant 0 : i32
          %dma_wait3A_1021 = tpu.memref_slice %arg10[%run_scoped3A, %dma_wait3A_1020] : memref<1x64xf32, #tpu.memory_space<hbm>> -> memref<1x64xf32, #tpu.memory_space<hbm>>
          %dma_wait3A_1022 = tpu.memref_squeeze %dma_wait3A_1021 : memref<1x64xf32, #tpu.memory_space<hbm>> -> memref<64xf32, #tpu.memory_space<hbm>>
          tpu.wait_dma2 semaphore(%run_scoped3A_1010 : memref<!tpu.dma_semaphore, #tpu.memory_space<semaphore_mem>>) src(%arg21 : memref<64xf32, #tpu.memory_space<vmem>>) dst(%dma_wait3A_1022 : memref<64xf32, #tpu.memory_space<hbm>>)
          tpu.yield
        }) : () -> ()
      } else {
      }
    } else {
    }
    return
  }
}

</mosaic_0001>

<sc_bundles>
// kernel: kernel.3.cloned.1.call-start
scs
__scs_entry_jumppad:
0x0: {  	(pc) =	sbr.rel $0x88, $3  }
0x1: {  	(tag) =	ssettag $0x0;
	lr =	simm.s32 $0x1  }
0x2: {  	[smem:$0x3F96] =	sst lr;
	_ =	strace $0xD0000000  }
0x3: {  	_ = 	snop  }
0x4: {  	_ = 	snop  }
0x5: {  	_ = 	snop  }
0x6: {  	_ = 	snop  }
0x7: {  	_ = 	snop  }
__scs_overlays_trampoline_lowered:
0x8: {  	[smem:$0x3FA5] =	sst s0  }
0x9: {  	[smem:$0x3FA6] =	sst s1  }
0xa: {  	[smem:$0x3FA7] =	sst s2  }
0xb: {  	[smem:$0x3FA8] =	sst s3  }
0xc: {  	[smem:$0x3FA9] =	sst s4  }
0xd: {  	[smem:$0x3FAA] =	sst s5  }
0xe: {  	[smem:$0x3FAB] =	sst s6  }
0xf: {  	[smem:$0x3FAC] =	sst s7  }
0x10: {  	[smem:$0x3FAD] =	sst s8  }
0x11: {  	[smem:$0x3FAE] =	sst s9;
	s0 =	simm.s32 @!p0 $0x0  }
0x12: {  	s1 =	sld [smem:$0x3F94];
	s0 =	simm.s32 @p0 $0x1  }
0x13: {  	[smem:$0x3FAF] =	sst s0;
	s0 =	simm.s32 @!p1 $0x0  }
0x14: {  	s2 =	sld [smem:$0x3F93];
	s0 =	simm.s32 @p1 $0x1  }
0x15: {  	[smem:$0x3FB0] =	sst s0;
	s0 =	simm.s32 @!p2 $0x0  }
0x16: {  	s3 =	sld [smem:$0x3FDB];
	s0 =	simm.s32 @p2 $0x1  }
0x17: {  	s4 =	simm.s32 $0x1BF5;
	[smem:$0x3FB2] =	sst s0  }
0x18: {  	s0 =	sld [smem:$0x3F95];
	_ =	swait.ge [sflag:s4], $0x0  }
0x19: {  	s7 =	sld [smem:$0x3F96]  }
0x1a: {  	s8 =	sadd.s32 $0xFFFFE003, lr  }
0x1b: {  	s9 =	sadd.s32 $0xFFFFFEF7, lr;
	s5 =	simm.s32 $0xFFFFFFFF;
	p2 =	slt.u32 s8, $0xFFFFF086  }
0x1c: {  	p1 =	slt.u32 s9, $0xF7A;
	s5 =	simm.s32 @!p2 $0x0  }
0x1d: {  	s5 =	simm.s32 @p1 $0x1;
	p0 =	seq.s32 s7, s2  }
0x1e: {  	s7 =	smul.u32 @!p0 $0xF7A, s2;
	p2 =	seq.s32 @!p0 s5, $0x0  }
0x1f: {  	s9 =	smul.u32 $0xF7A, s1;
	s8 =	simm.s32 @!p0 $0x1BF5;
	p2 =	por !p2, p0  }
0x20: {  	[sflag:s8] =	ssyncset.s32 @!p0 $0xFFFFF086;
	s6 =	sadd.s32 @!p0 s3, s7;
	s7 =	simm.s32 @!p0 $0x108  }
0x21: {  	s3 =	sadd.s32 s3, s9;
	s6 =	sadd.s32 @!p0 $0x88, s6;
	s7 =	simm.s32 @p2 $0x1082  }
0x22: {  	[simem:s7], [sflag:s8] =	dma.local @!p0 [hbm:s6], $0xF7A  }
0x23: {  	s9 =	sor.u32 $0xD0000000, s2;
	s6 =	simm.s32 $0x108;
	_ =	swait.ge @!p0 [sflag:s8], $0x0  }
0x24: {  	s3 =	sadd.s32 $0x88, s3;
	s6 =	simm.s32 @!p1 $0x1082;
	[sflag:s4] =	ssyncset.s32 $0xFFFFF086  }
0x25: {  	[simem:s6], [sflag:s4] =	dma.local [hbm:s3], $0xF7A  }
0x26: {  	[smem:$0x3F96] =	sst s1;
	(tag) =	ssettag s2;
	_ =	strace s9  }
0x27: {  	s1 =	sld [smem:$0x3FA6]  }
0x28: {  	s2 =	sld [smem:$0x3FA7]  }
0x29: {  	s4 =	sld [smem:$0x3FA9]  }
0x2a: {  	p0 =	seq.s32 s5, $0x0;
	s5 =	sld [smem:$0x3FAA]  }
0x2b: {  	s6 =	sld [smem:$0x3FAB]  }
0x2c: {  	s7 =	sld [smem:$0x3FAC]  }
0x2d: {  	s3 =	simm.s32 $0x108;
	s8 =	sld [smem:$0x3FAD]  }
0x2e: {  	s3 =	simm.s32 @!p0 $0x1082;
	s9 =	sld [smem:$0x3FAE]  }
0x2f: {  	lr =	sadd.s32 s0, s3;
	s0 =	sld [smem:$0x3FA5]  }
0x30: {  	s3 =	sld [smem:$0x3FA8]  }
0x31: {  	[smem:$0x3FB1] =	sst s10  }
0x32: {  	s10 =	sld [smem:$0x3FAF];
	_ =	sdelay $0x3  }
0x33: {  	p0 =	seq.s32 s10, $0x1;
	s10 =	sld [smem:$0x3FB1];
	_ =	sdelay $0x3  }
0x34: {  	[smem:$0x3FB1] =	sst s10  }
0x35: {  	s10 =	sld [smem:$0x3FB0];
	_ =	sdelay $0x3  }
0x36: {  	p1 =	seq.s32 s10, $0x1;
	s10 =	sld [smem:$0x3FB1];
	_ =	sdelay $0x3  }
0x37: {  	[smem:$0x3FB1] =	sst s10  }
0x38: {  	s10 =	sld [smem:$0x3FB2]  }
0x39: {  	_ = 	snop;
	(pc) =	sbr.ind lr, $3  }
0x3a: {  	_ = 	snop  }
0x3b: {  	_ = 	snop  }
0x3c: {  	p2 =	seq.s32 s10, $0x1;
	s10 =	sld [smem:$0x3FB1]  }
0x3d: {  	_ =	shalt  }
0x3e: {  	_ =	shalt  }
0x3f: {  	_ =	shalt  }
0x40: {  	_ =	shalt  }
0x41: {  	_ =	shalt  }
0x42: {  	_ =	shalt  }
0x43: {  	_ =	shalt  }
0x44: {  	_ =	shalt  }
0x45: {  	_ =	shalt  }
0x46: {  	_ =	shalt  }
0x47: {  	_ =	shalt  }
0x48: {  	_ =	shalt  }
0x49: {  	_ =	shalt  }
0x4a: {  	_ =	shalt  }
0x4b: {  	_ =	shalt  }
0x4c: {  	_ =	shalt  }
0x4d: {  	_ =	shalt  }
0x4e: {  	_ =	shalt  }
0x4f: {  	_ =	shalt  }
0x50: {  	_ =	shalt  }
0x51: {  	_ =	shalt  }
0x52: {  	_ =	shalt  }
0x53: {  	_ =	shalt  }
0x54: {  	_ =	shalt  }
0x55: {  	_ =	shalt  }
0x56: {  	_ =	shalt  }
0x57: {  	_ =	shalt  }
0x58: {  	_ =	shalt  }
0x59: {  	_ =	shalt  }
0x5a: {  	_ =	shalt  }
0x5b: {  	_ =	shalt  }
0x5c: {  	_ =	shalt  }
0x5d: {  	_ =	shalt  }
0x5e: {  	_ =	shalt  }
0x5f: {  	_ =	shalt  }
0x60: {  	_ =	shalt  }
0x61: {  	_ =	shalt  }
0x62: {  	_ =	shalt  }
0x63: {  	_ =	shalt  }
0x64: {  	_ =	shalt  }
0x65: {  	_ =	shalt  }
0x66: {  	_ =	shalt  }
0x67: {  	_ =	shalt  }
0x68: {  	_ =	shalt  }
0x69: {  	_ =	shalt  }
0x6a: {  	_ =	shalt  }
0x6b: {  	_ =	shalt  }
0x6c: {  	_ =	shalt  }
0x6d: {  	_ =	shalt  }
0x6e: {  	_ =	shalt  }
0x6f: {  	_ =	shalt  }
0x70: {  	_ =	shalt  }
0x71: {  	_ =	shalt  }
0x72: {  	_ =	shalt  }
0x73: {  	_ =	shalt  }
0x74: {  	_ =	shalt  }
0x75: {  	_ =	shalt  }
0x76: {  	_ =	shalt  }
0x77: {  	_ =	shalt  }
0x78: {  	_ =	shalt  }
0x79: {  	_ =	shalt  }
0x7a: {  	_ =	shalt  }
0x7b: {  	_ =	shalt  }
0x7c: {  	_ =	shalt  }
0x7d: {  	_ =	shalt  }
0x7e: {  	_ =	shalt  }
0x7f: {  	_ =	shalt  }
0x80: {  	_ =	shalt  }
0x81: {  	_ =	shalt  }
0x82: {  	_ =	shalt  }
0x83: {  	_ =	shalt  }
0x84: {  	_ =	shalt  }
0x85: {  	_ =	shalt  }
0x86: {  	_ =	shalt  }
0x87: {  	_ =	shalt  }
.Lfunc_end0:
.L_simem_size_0:
called_computation_lowered:
.L_overlay_start_0:
0x88: {  	s0 =	sld [smem:$0x3FD9]  }
0x89: {  	s1 =	sld [smem:$0x3FFE];
	_ =	sdelay $0x3  }
0x8a: {  	s0 =	sadd.s32 s1, s0  }
0x8b: {  	[smem:$0x3FBD] =	sst s0  }
0x8c: {  	_ = 	snop  }
0x8d: {  	s0 =	sld [smem:$0x3FC9]  }
0x8e: {  	s16 =	sld [smem:$0x3FC4]  }
0x8f: {  	s2 =	sld [smem:$0x3FC2]  }
0x90: {  	s3 =	sld [smem:$0x3FC1]  }
0x91: {  	s4 =	sld [smem:$0x3FC0]  }
0x92: {  	s5 =	sld [smem:$0x3FBF]  }
0x93: {  	s6 =	sld [smem:$0x3FD0];
	(tm) =	ssettm $0x1  }
0x94: {  	s7 =	sld [smem:$0x3FFB];
	_ =	sdelay $0x3  }
0x95: {  	_ =	strace s7  }
0x96: {  	s7 =	sld [smem:$0x3FFC];
	_ =	sdelay $0x3  }
0x97: {  	_ =	strace s7  }
0x98: {  	s7 =	sld [smem:$0x3FFD];
	_ =	sdelay $0x3  }
0x99: {  	_ =	strace s7  }
0x9a: {  	_ =	strace $0x8FFFFFFF  }
0x9b: {  	s17 =	sld [smem:$0x3FDB];
	_ =	sdelay $0x1  }
0x9c: {  	s8 =	simm.s32 $_scs_section_size  }
0x9d: {  	s9 =	simm.s32 $_size__tile_overlayer_lowered;
	s10 =	simm.s32 $_tile_overlayer_lowered  }
0x9e: {  	s20 =	simm.s32 $0x1BFF;
	s19 =	sshll.u32 s10, $0x1;
	s7 =	sadd.s32 s8, s17  }
0x9f: {  	s11 =	simm.s32 $0x0;
	s18 =	sshll.u32 s9, $0x1;
	s9 =	sadd.s32 s19, s7  }
0xa0: {  	[timem:s11], [sflag:s20] =	dma.local [hbm:s9], s18  }
0xa1: {  	_ =	swait.ge [sflag:s20], s18  }
0xa2: {  	s8 =	ssub.s32 $0x0, s18;
	[sflag:s20] =	ssyncset.done $0x0  }
0xa3: {  	[sflag:s20] =	ssyncadd.s32 s8;
	_ =	sdelay $0x1  }
0xa4: {  	s21 =	simm.s32 $0x1B8B  }
0xa5: {  	_ =	swait.ge [sflag:s21], $0x1  }
0xa6: {  	[sflag:s21] =	ssyncset.done $0x0  }
0xa7: {  	s23 =	simm.s32 $0x1B8E;
	s22 =	sld [smem:$0x3FFE];
	[sflag:s21] =	ssyncadd.s32 $0xFFFFFFFF  }
0xa8: {  	s24 =	simm.s32 $execute0_lowered;
	[smem:$0x3FD2] =	sst s23  }
0xa9: {  	s9 =	sshll.u32 s24, $0x1;
	_ =	strace $0x80000046;
	[dreg:$0x1] =	wrdreg $0xFFFFFFFF  }
0xaa: {  	s25 =	simm.s32 $_size_execute0_lowered;
	s7 =	sadd.s32 s7, s9;
	[dreg:$0x0] =	wrdreg $0x0  }
0xab: {  	s9 =	sshll.u32 s25, $0x1;
	[dreg:$0x2] =	wrdreg s7  }
0xac: {  	[dreg:$0x3] =	wrdreg s9  }
0xad: {  	[dreg:$0x4] =	wrdreg $0xC0  }
0xae: {  	_ =	task [dreg:s11], $0x5FFFF  }
0xaf: {  	[dreg:$0x1] =	wrdreg $0xFFFFFFFF  }
0xb0: {  	[dreg:$0x0] =	wrdreg $0x60  }
0xb1: {  	[dreg:$0x2] =	wrdreg s0  }
0xb2: {  	[dreg:$0x3] =	wrdreg s22  }
0xb3: {  	[dreg:$0x4] =	wrdreg s16  }
0xb4: {  	[dreg:$0x5] =	wrdreg s2  }
0xb5: {  	[dreg:$0x6] =	wrdreg s3  }
0xb6: {  	[dreg:$0x7] =	wrdreg s4  }
0xb7: {  	[dreg:$0x8] =	wrdreg s5  }
0xb8: {  	[dreg:$0x9] =	wrdreg s6  }
0xb9: {  	[dreg:$0xa] =	wrdreg $0x96A00  }
0xba: {  	[dreg:$0xb] =	wrdreg $0x96B00  }
0xbb: {  	[dreg:$0xc] =	wrdreg $0x9  }
0xbc: {  	_ =	task.clear_ibuf [dreg:s11], $0xDFFFF;
	_ =	strace $0x90000046  }
0xbd: {  	s26 =	simm.s32 $0x9;
	_ =	strace $0x80000048  }
0xbe: {  	_ =	swait.ge [sflag:s26], $0x1  }
0xbf: {  	[sflag:s26] =	ssyncadd.s32 $0xFFFFFFFF  }
0xc0: {  	_ =	strace $0x90000048  }
0xc1: {  	_ =	sfence  }
0xc2: {  	s28 =	sld [smem:$0x0];
	_ =	sdelay $0x1  }
0xc3: {  	s29 =	srdreg.scid  }
0xc4: {  	s30 =	sshll.u32 s29, $0xD;
	s31 =	sshrl.u32 s29, $0x2  }
0xc5: {  	s1 =	sand.u32 $0x1, s29;
	s2 =	sand.u32 $0x4000, s30;
	s0 =	sadd.s32 s31, s28  }
0xc6: {  	s1 =	sor.u32 s2, s1;
	s0 =	sshll.u32 s0, $0x11  }
0xc7: {  	s0 =	sor.u32 s0, s1  }
0xc8: {  	s0 =	sadd.s32 $0x8F2B, s0  }
0xc9: {  	[sflag:s0] =	ssyncadd.remote.s32 $0x1  }
0xca: {  	_ =	sfence.sel $0xFFFF  }
0xcb: {  	[dreg:$0x0] =	wrdreg $0xFFFFFFFF;
	(pc) =	sbr.abs _section_cstart, $3  }
0xcc: {  	[dreg:$0x1] =	wrdreg $0xFFFFFFFF  }
0xcd: {  	_ =	task.clear_ibuf [dreg:s11], $0x2FFFF;
	_ =	strace $0x9FFFFFFF  }
0xce: {  	(tm) =	ssettm $0x7FFFFFFF  }
0xcf: {  	_ =	shalt  }
tec
execute0_lowered:
.L_overlay_start_1:
0x0: {  	(tag) =	ssettag $0x1  }
0x1: {  	s3 =	rddreg [dreg:$0x0]  }
0x2: {  	s6 =	rddreg [dreg:$0x1]  }
0x3: {  	s7 =	rddreg [dreg:$0x2]  }
0x4: {  	s8 =	rddreg [dreg:$0x3]  }
0x5: {  	s9 =	rddreg [dreg:$0x4]  }
0x6: {  	s10 =	rddreg [dreg:$0x5]  }
0x7: {  	s5 =	rddreg [dreg:$0x6]  }
0x8: {  	s1 =	rddreg [dreg:$0x7]  }
0x9: {  	s4 =	rddreg [dreg:$0x8]  }
0xa: {  	s2 =	rddreg [dreg:$0x9];
	s11 =	simm.s32 $0x0  }
0xb: {  	[smem:$0x7FF] =	sst s11  }
0xc: {  	s0 =	rddreg [dreg:$0xa];
	_ =	strace $0x80000047  }
0xd: {  	[tilespmem:s11], [sflag:$0x1] =	stream.linear.gather [hbm4b:s3+s11], $0x1000, $0x38;
	[tilespmem:$0x96C0] =	vst v63  }
0xe: {  	s13 =	simm.s32 $0x1000;
	s20 =	simm.s32 $0x9190;
	s12 =	sadd.s32 $0x10A00, s6  }
0xf: {  	[tilespmem:s13], [sflag:$0x1] =	stream.linear.gather [hbm4b:s12+s11], $0x10, $0x38;
	[tilespmem:$0x96C0] =	vst v63  }
0x10: {  	s22 =	simm.s32 $0x9210;
	s25 =	simm.s32 $0x9290;
	s3 =	stileid.u32  }
0x11: {  	[tilespmem:s20], [sflag:$0x1] =	stream.linear.gather [hbm4b:s7+s11], $0x80, $0x38;
	[tilespmem:$0x96C0] =	vst v63  }
0x12: {  	s28 =	simm.s32 $0x9310;
	s31 =	simm.s32 $0x1010;
	s19 =	sshll.u32 s3, $0x6  }
0x13: {  	[tilespmem:s22], [sflag:$0x1] =	stream.linear.gather [hbm4b:s8+s11], $0x80, $0x38;
	[tilespmem:$0x96C0] =	vst v63  }
0x14: {  	s15 =	simm.s32 $0x2020;
	s21 =	sadd.s32 s10, s19;
	s10 =	smul.u32 $0x8040, s3  }
0x15: {  	[tilespmem:s25], [sflag:$0x1] =	stream.linear.gather [hbm4b:s9+s11], $0x80, $0x38;
	[tilespmem:$0x96C0] =	vst v63  }
0x16: {  	s6 =	sadd.s32 $0x800, s6;
	s23 =	smul.u32 $0x1008, s3;
	s24 =	sadd.s32 $0x1008, s10  }
0x17: {  	[tilespmem:s28], [sflag:$0x1] =	stream.linear.gather [hbm4b:s21+s11], $0x200, $0x38;
	[tilespmem:$0x96C0] =	vst v63  }
0x18: {  	s30 =	sshrl.u32 s10, $0x3;
	s26 =	sshrl.u32 s24, $0x3;
	s8 =	sadd.s32 s6, s23  }
0x19: {  	[tilespmem:s31], [sflag:$0x1] =	stream.linear.gather [hbm4b:s8+s11], $0x1007, $0x38;
	[tilespmem:$0x96C0] =	vst v63  }
0x1a: {  	s14 =	sadd.s32 $0x3018, s10;
	s13 =	sadd.s32 s6, s30;
	s29 =	sadd.s32 s6, s26  }
0x1b: {  	[tilespmem:s15], [sflag:$0x1] =	stream.linear.gather [hbm4b:s29+s11], $0x1007, $0x38;
	[tilespmem:$0x96C0] =	vst v63  }
0x1c: {  	s17 =	simm.s32 $0x3030;
	s16 =	sadd.s32 $0x402, s13;
	s9 =	sshrl.u32 s14, $0x3  }
0x1d: {  	[tilespmem:s17], [sflag:$0x1] =	stream.linear.gather [hbm4b:s16+s11], $0x1007, $0x38;
	[tilespmem:$0x96C0] =	vst v63  }
0x1e: {  	s19 =	sadd.s32 $0x5028, s10;
	s20 =	simm.s32 $0x4040;
	s18 =	sadd.s32 s6, s9  }
0x1f: {  	[tilespmem:s20], [sflag:$0x1] =	stream.linear.gather [hbm4b:s18+s11], $0x1007, $0x38;
	[tilespmem:$0x96C0] =	vst v63  }
0x20: {  	s22 =	simm.s32 $0x5050;
	s9 =	sshrl.u32 s19, $0x3;
	s21 =	sadd.s32 $0x804, s13  }
0x21: {  	[tilespmem:s22], [sflag:$0x1] =	stream.linear.gather [hbm4b:s21+s11], $0x1007, $0x38;
	[tilespmem:$0x96C0] =	vst v63  }
0x22: {  	s24 =	sadd.s32 $0x7038, s10;
	s25 =	simm.s32 $0x6060;
	s23 =	sadd.s32 s6, s9  }
0x23: {  	[tilespmem:s25], [sflag:$0x1] =	stream.linear.gather [hbm4b:s23+s11], $0x1007, $0x38;
	[tilespmem:$0x96C0] =	vst v63  }
0x24: {  	s26 =	sadd.s32 $0xC06, s13;
	s28 =	sshrl.u32 s24, $0x3;
	s29 =	simm.s32 $0x7070  }
0x25: {  	[tilespmem:s29], [sflag:$0x1] =	stream.linear.gather [hbm4b:s26+s11], $0x1007, $0x38;
	[tilespmem:$0x96C0] =	vst v63  }
0x26: {  	p0 =	sne.s32 s3, $0x0;
	s30 =	simm.s32 $0x8080;
	s6 =	sadd.s32 s6, s28  }
0x27: {  	[tilespmem:s30], [sflag:$0x1] =	stream.linear.gather [hbm4b:s6+s11], $0x1007, $0x38;
	[tilespmem:$0x96C0] =	vst v63  }
0x28: {  	s7 =	simm.s32 @!p0 $0x9610;
	s6 =	simm.s32 @!p0 $0x0  }
0x29: {  	[tilespmem:s7], [sflag:$0x1] =	stream.linear.gather @!p0 [hbm4b:s5+s6], $0x40, $0x38;
	[tilespmem:$0x96C0] =	vst v63  }
0x2a: {  	s5 =	simm.s32 @!p0 $0x1  }
0x2b: {  	_ =	swait.ge @!p0 [sflag:s5], $0x40  }
0x2c: {  	[sflag:s5] =	ssyncset.done @!p0 $0x0  }
0x2d: {  	s31 =	simm.s32 $0x1;
	[sflag:s5] =	ssyncadd.s32 @!p0 $0xFFFFFFC0  }
0x2e: {  	_ =	swait.ge [sflag:s31], $0x1000  }
0x2f: {  	[sflag:s31] =	ssyncset.done $0x0  }
0x30: {  	[sflag:s31] =	ssyncadd.s32 $0xFFFFF000  }
0x31: {  	_ =	swait.ge [sflag:s31], $0x10  }
0x32: {  	[sflag:s31] =	ssyncset.done $0x0  }
0x33: {  	[sflag:s31] =	ssyncadd.s32 $0xFFFFFFF0  }
0x34: {  	_ =	swait.ge [sflag:s31], $0x80  }
0x35: {  	[sflag:s31] =	ssyncset.done $0x0  }
0x36: {  	[sflag:s31] =	ssyncadd.s32 $0xFFFFFF80  }
0x37: {  	_ =	swait.ge [sflag:s31], $0x80  }
0x38: {  	[sflag:s31] =	ssyncset.done $0x0  }
0x39: {  	[sflag:s31] =	ssyncadd.s32 $0xFFFFFF80  }
0x3a: {  	_ =	swait.ge [sflag:s31], $0x80  }
0x3b: {  	[sflag:s31] =	ssyncset.done $0x0  }
0x3c: {  	[sflag:s31] =	ssyncadd.s32 $0xFFFFFF80  }
0x3d: {  	_ =	swait.ge [sflag:s31], $0x200  }
0x3e: {  	[sflag:s31] =	ssyncset.done $0x0  }
0x3f: {  	[sflag:s31] =	ssyncadd.s32 $0xFFFFFE00  }
0x40: {  	_ =	swait.ge [sflag:s31], $0x1007  }
0x41: {  	[sflag:s31] =	ssyncset.done $0x0  }
0x42: {  	[sflag:s31] =	ssyncadd.s32 $0xFFFFEFF9  }
0x43: {  	_ =	swait.ge [sflag:s31], $0x1007  }
0x44: {  	[sflag:s31] =	ssyncset.done $0x0  }
0x45: {  	[sflag:s31] =	ssyncadd.s32 $0xFFFFEFF9  }
0x46: {  	_ =	swait.ge [sflag:s31], $0x1007  }
0x47: {  	[sflag:s31] =	ssyncset.done $0x0  }
0x48: {  	[sflag:s31] =	ssyncadd.s32 $0xFFFFEFF9  }
0x49: {  	_ =	swait.ge [sflag:s31], $0x1007  }
0x4a: {  	[sflag:s31] =	ssyncset.done $0x0  }
0x4b: {  	[sflag:s31] =	ssyncadd.s32 $0xFFFFEFF9  }
0x4c: {  	_ =	swait.ge [sflag:s31], $0x1007  }
0x4d: {  	[sflag:s31] =	ssyncset.done $0x0  }
0x4e: {  	[sflag:s31] =	ssyncadd.s32 $0xFFFFEFF9  }
0x4f: {  	_ =	swait.ge [sflag:s31], $0x1007  }
0x50: {  	[sflag:s31] =	ssyncset.done $0x0  }
0x51: {  	[sflag:s31] =	ssyncadd.s32 $0xFFFFEFF9  }
0x52: {  	_ =	swait.ge [sflag:s31], $0x1007  }
0x53: {  	[sflag:s31] =	ssyncset.done $0x0  }
0x54: {  	[sflag:s31] =	ssyncadd.s32 $0xFFFFEFF9  }
0x55: {  	_ =	swait.ge [sflag:s31], $0x1007  }
0x56: {  	[sflag:s31] =	ssyncset.done $0x0  }
0x57: {  	s5 =	simm.s32 $0x0;
	[sflag:s31] =	ssyncadd.s32 $0xFFFFEFF9  }
0x58: {  	v0 =	vld [tilespmem:s5+$0x70]  }
0x59: {  	v3 =	vld [tilespmem:s5+$0x1080]  }
0x5a: {  	v4 =	vld [tilespmem:s5+$0x2090]  }
0x5b: {  	v5 =	vld [tilespmem:s5+$0x30A0]  }
0x5c: {  	v6 =	vld [tilespmem:s5+$0x40B0]  }
0x5d: {  	v7 =	vld [tilespmem:s5+$0x50C0]  }
0x5e: {  	v8 =	vld [tilespmem:s5+$0x60D0]  }
0x5f: {  	v1 =	vld [tilespmem:s5+$0x60]  }
0x60: {  	v9 =	vld [tilespmem:s5+$0x1070]  }
0x61: {  	v10 =	vld [tilespmem:s5+$0x2080]  }
0x62: {  	v11 =	vld [tilespmem:s5+$0x3090]  }
0x63: {  	v12 =	vld [tilespmem:s5+$0x40A0]  }
0x64: {  	v13 =	vld [tilespmem:s5+$0x50B0]  }
0x65: {  	v14 =	vld [tilespmem:s5+$0x60C0]  }
0x66: {  	v2 =	vld [tilespmem:s5+$0x50]  }
0x67: {  	v17 =	vld [tilespmem:s5+$0x1060]  }
0x68: {  	v18 =	vld [tilespmem:s5+$0x2070]  }
0x69: {  	v19 =	vld [tilespmem:s5+$0x3080]  }
0x6a: {  	v20 =	vld [tilespmem:s5+$0x4090]  }
0x6b: {  	v21 =	vld [tilespmem:s5+$0x50A0]  }
0x6c: {  	v22 =	vld [tilespmem:s5+$0x60B0]  }
0x6d: {  	v15 =	vld [tilespmem:s5+$0x40]  }
0x6e: {  	v23 =	vld [tilespmem:s5+$0x1050]  }
0x6f: {  	v24 =	vld [tilespmem:s5+$0x2060]  }
0x70: {  	v25 =	vld [tilespmem:s5+$0x3070]  }
0x71: {  	v26 =	vld [tilespmem:s5+$0x4080]  }
0x72: {  	v27 =	vld [tilespmem:s5+$0x5090]  }
0x73: {  	v28 =	vld [tilespmem:s5+$0x60A0]  }
0x74: {  	v16 =	vld [tilespmem:s5+$0x30]  }
0x75: {  	v29 =	vld [tilespmem:s5+$0x1040]  }
0x76: {  	v30 =	vld [tilespmem:s5+$0x2050];
	v31 =	vmul.f32 v3, v0  }
0x77: {  	v33 =	vld [tilespmem:s5+$0x20];
	v32 =	vmul.f32 v4, v0;
	v34 =	vmul.f32 v5, v0  }
0x78: {  	v36 =	vld [tilespmem:s5+$0x1030];
	v35 =	vmul.f32 v6, v0;
	v4 =	vmul.f32 v7, v0  }
0x79: {  	v37 =	vld [tilespmem:s5+$0x2040];
	v3 =	vmul.f32 v8, v0;
	v9 =	vmul.f32 v9, v1  }
0x7a: {  	v38 =	vld [tilespmem:s5+$0x10];
	v10 =	vmul.f32 v10, v1;
	v11 =	vmul.f32 v11, v1  }
0x7b: {  	v39 =	vld [tilespmem:s5+$0x1020];
	v12 =	vmul.f32 v12, v1;
	v5 =	vmul.f32 v13, v1  }
0x7c: {  	v40 =	vld [tilespmem:s5+$0x2030];
	v6 =	vmul.f32 v14, v1;
	v17 =	vmul.f32 v17, v2  }
0x7d: {  	v41 =	vld [tilespmem:s5+$0x0];
	v18 =	vmul.f32 v18, v2;
	v19 =	vmul.f32 v19, v2  }
0x7e: {  	v42 =	vld [tilespmem:s5+$0x1010];
	v20 =	vmul.f32 v20, v2;
	v7 =	vmul.f32 v21, v2  }
0x7f: {  	v43 =	vld [tilespmem:s5+$0x4040];
	v8 =	vmul.f32 v22, v2;
	v22 =	vmul.f32 v23, v15  }
0x80: {  	v21 =	vld [tilespmem:s5+$0x2020];
	v23 =	vmul.f32 v24, v15;
	v25 =	vmul.f32 v25, v15  }
0x81: {  	v24 =	vld [tilespmem:s5+$0x3030];
	v13 =	vmul.f32 v27, v15;
	v14 =	vmul.f32 v28, v15  }
0x82: {  	v58 =	vld [tilespmem:s5+$0x4050];
	v56 =	vmul.f32 v29, v16;
	v57 =	vmul.f32 v30, v16  }
0x83: {  	v27 =	vld [tilespmem:s5+$0x3040];
	v36 =	vmul.f32 v36, v33;
	v42 =	vmul.f32 v42, v41  }
0x84: {  	v46 =	vimm.f32 $0.0e+00;
	v44 =	vld [tilespmem:s5+$0x3050];
	v37 =	vmul.f32 v37, v33;
	v39 =	vmul.f32 v39, v38  }
0x85: {  	v45 =	vld [tilespmem:s5+$0x4060];
	v40 =	vmul.f32 v40, v38;
	v42 =	vadd.f32 v42, v46;
	v21 =	vmul.f32 v21, v41  }
0x86: {  	v47 =	vld [tilespmem:s5+$0x3060];
	v43 =	vmul.f32 v43, v41;
	v24 =	vmul.f32 v24, v41  }
0x87: {  	v48 =	vld [tilespmem:s5+$0x4070];
	v30 =	vmul.f32 v58, v38;
	v39 =	vadd.f32 v39, v42;
	v21 =	vadd.f32 v21, v46  }
0x88: {  	v49 =	vld [tilespmem:s5+$0x5080];
	v43 =	vadd.f32 v43, v46;
	v27 =	vmul.f32 v27, v38;
	v24 =	vadd.f32 v24, v46  }
0x89: {  	v60 =	vld [tilespmem:s5+$0x6090];
	v59 =	vmul.f32 v44, v33;
	v36 =	vadd.f32 v36, v39;
	v21 =	vadd.f32 v40, v21  }
0x8a: {  	v62 =	vld [tilespmem:s5+$0x5070];
	v61 =	vmul.f32 v45, v33;
	v24 =	vadd.f32 v27, v24;
	v27 =	vadd.f32 v30, v43  }
0x8b: {  	v63 =	vld [tilespmem:s5+$0x6080];
	v50 =	vmul.f32 v47, v16;
	v28 =	vadd.f32 v56, v36;
	v21 =	vadd.f32 v37, v21  }
0x8c: {  	v51 =	vld [tilespmem:s5+$0x5060];
	v52 =	vmul.f32 v48, v16;
	v24 =	vadd.f32 v59, v24;
	v27 =	vadd.f32 v61, v27  }
0x8d: {  	v53 =	vld [tilespmem:s5+$0x6070];
	v26 =	vmul.f32 v26, v15;
	v22 =	vadd.f32 v22, v28;
	v21 =	vadd.f32 v57, v21  }
0x8e: {  	v54 =	vmul.f32 v49, v16;
	v24 =	vadd.f32 v50, v24;
	v27 =	vadd.f32 v52, v27;
	v57 =	vld [tilespmem:s5+$0x6060]  }
0x8f: {  	v55 =	vld [tilespmem:s5+$0x5050];
	v58 =	vmul.f32 v62, v33;
	v17 =	vadd.f32 v17, v22;
	v21 =	vadd.f32 v23, v21  }
0x90: {  	v56 =	vmul.f32 v60, v16;
	v23 =	vld [tilespmem:s5+$0x7070];
	v24 =	vadd.f32 v25, v24;
	v25 =	vadd.f32 v26, v27  }
0x91: {  	v59 =	vmul.f32 v63, v33;
	v9 =	vadd.f32 v9, v17;
	v26 =	vld [tilespmem:s5+$0x8080];
	v18 =	vadd.f32 v18, v21  }
0x92: {  	v22 =	vld [tilespmem:s5+$0x7080];
	v27 =	vmul.f32 v51, v38;
	v19 =	vadd.f32 v19, v24;
	v20 =	vadd.f32 v20, v25  }
0x93: {  	v21 =	vmul.f32 v53, v38;
	v25 =	vld [tilespmem:s5+$0x8090];
	v17 =	vmul.f32 v57, v41;
	v10 =	vadd.f32 v10, v18  }
0x94: {  	v24 =	vmul.f32 v55, v41;
	v18 =	vld [tilespmem:s5+$0x7090];
	v11 =	vadd.f32 v11, v19;
	v19 =	vadd.f32 v12, v20  }
0x95: {  	v12 =	vadd.f32 v31, v9;
	v20 =	vmul.f32 v23, v41;
	v23 =	vld [tilespmem:s5+$0x80A0];
	v17 =	vadd.f32 v17, v46  }
0x96: {  	v60 =	vld [tilespmem:s5+$0x70A0];
	v26 =	vmul.f32 v26, v41;
	v10 =	vadd.f32 v32, v10;
	v11 =	vadd.f32 v34, v11  }
0x97: {  	v22 =	vmul.f32 v22, v38;
	v9 =	vadd.f32 v35, v19;
	v19 =	vadd.f32 v24, v46;
	v24 =	vld [tilespmem:s5+$0x80B0]  }
0x98: {  	v61 =	vld [tilespmem:s5+$0x70B0];
	v20 =	vadd.f32 v20, v46;
	v26 =	vadd.f32 v26, v46;
	v25 =	vmul.f32 v25, v38  }
0x99: {  	v17 =	vadd.f32 v21, v17;
	v19 =	vadd.f32 v27, v19;
	v27 =	vld [tilespmem:s5+$0x80C0];
	v21 =	vmul.f32 v18, v33  }
0x9a: {  	v20 =	vadd.f32 v22, v20;
	v22 =	vadd.f32 v25, v26;
	v18 =	vld [tilespmem:s5+$0x70C0];
	v23 =	vmul.f32 v23, v33  }
0x9b: {  	v25 =	vadd.f32 v59, v17;
	v26 =	vmul.f32 v60, v16;
	v17 =	vld [tilespmem:s5+$0x80D0];
	v19 =	vadd.f32 v58, v19  }
0x9c: {  	v62 =	vadd.f32 v21, v20;
	v24 =	vmul.f32 v24, v16;
	v16 =	vld [tilespmem:s5+$0x70D0];
	v63 =	vadd.f32 v23, v22  }
0x9d: {  	s3 =	sshll.u32 s3, $0x4;
	s8 =	simm.s32 $0x200;
	v20 =	vmul.f32 v61, v15;
	v21 =	vadd.f32 v54, v19;
	v22 =	vadd.f32 v56, v25;
	v19 =	vld [tilespmem:s5+$0x80E0]  }
0x9e: {  	s6 =	sadd.s32 s3, s4;
	s3 =	sadd.s32 s3, s2;
	s7 =	simm.s32 $0x0;
	v23 =	vadd.f32 v26, v62;
	v25 =	vmul.f32 v27, v15;
	v15 =	vld [tilespmem:s5+$0x70E0];
	v24 =	vadd.f32 v24, v63  }
.LBB2_1:
0x9f: {  	v13 =	vadd.f32 v13, v21;
	v14 =	vadd.f32 v14, v22;
	v18 =	vmul.f32 v18, v2;
	v21 =	vld [tilespmem:s5+$0x80F0];
	s5 =	sshra.s32 s8, $0x2  }
0xa0: {  	v22 =	vld [tilespmem:s5+$0x70];
	v20 =	vadd.f32 v20, v23;
	v23 =	vadd.f32 v25, v24;
	v2 =	vmul.f32 v17, v2  }
0xa1: {  	v24 =	vld [tilespmem:s5+$0x1080];
	v7 =	vadd.f32 v7, v13;
	v8 =	vadd.f32 v8, v14;
	v13 =	vmul.f32 v16, v1  }
0xa2: {  	v14 =	vld [tilespmem:s5+$0x2090];
	v16 =	vadd.f32 v18, v20;
	v2 =	vadd.f32 v2, v23;
	v1 =	vmul.f32 v19, v1  }
0xa3: {  	v23 =	vld [tilespmem:s5+$0x30A0];
	v5 =	vadd.f32 v5, v7;
	v6 =	vadd.f32 v6, v8;
	v7 =	vmul.f32 v15, v0  }
0xa4: {  	v8 =	vld [tilespmem:s5+$0x40B0];
	v13 =	vadd.f32 v13, v16;
	v1 =	vadd.f32 v1, v2;
	v2 =	vmul.f32 v21, v0  }
0xa5: {  	v27 =	vld [tilespmem:s5+$0x50C0];
	v16 =	vadd.f32 v4, v5;
	v17 =	vadd.f32 v3, v6;
	v0 =	vmov v22  }
0xa6: {  	v3 =	vld [tilespmem:s5+$0x60D0];
	v18 =	vadd.f32 v7, v13;
	v19 =	vadd.f32 v2, v1  }
0xa7: {  	v1 =	vld [tilespmem:s5+$0x60]  }
0xa8: {  	v5 =	vld [tilespmem:s5+$0x1070]  }
0xa9: {  	v6 =	vld [tilespmem:s5+$0x2080]  }
0xaa: {  	v7 =	vld [tilespmem:s5+$0x3090]  }
0xab: {  	v13 =	vld [tilespmem:s5+$0x40A0]  }
0xac: {  	v28 =	vld [tilespmem:s5+$0x50B0]  }
0xad: {  	v29 =	vld [tilespmem:s5+$0x60C0]  }
0xae: {  	v2 =	vld [tilespmem:s5+$0x50]  }
0xaf: {  	v30 =	vld [tilespmem:s5+$0x1060]  }
0xb0: {  	v31 =	vld [tilespmem:s5+$0x2070]  }
0xb1: {  	v32 =	vld [tilespmem:s5+$0x3080]  }
0xb2: {  	v33 =	vld [tilespmem:s5+$0x4090]  }
0xb3: {  	v34 =	vld [tilespmem:s5+$0x50A0]  }
0xb4: {  	v35 =	vld [tilespmem:s5+$0x60B0]  }
0xb5: {  	v15 =	vld [tilespmem:s5+$0x40]  }
0xb6: {  	v36 =	vld [tilespmem:s5+$0x1050]  }
0xb7: {  	v37 =	vld [tilespmem:s5+$0x2060]  }
0xb8: {  	v38 =	vld [tilespmem:s5+$0x3070]  }
0xb9: {  	v39 =	vld [tilespmem:s5+$0x4080]  }
0xba: {  	v40 =	vld [tilespmem:s5+$0x5090]  }
0xbb: {  	v41 =	vld [tilespmem:s5+$0x60A0]  }
0xbc: {  	v20 =	vld [tilespmem:s5+$0x30]  }
0xbd: {  	v42 =	vld [tilespmem:s5+$0x1040]  }
0xbe: {  	v25 =	vmul.f32 v24, v0;
	v26 =	vmul.f32 v14, v0;
	v43 =	vld [tilespmem:s5+$0x2050]  }
0xbf: {  	v22 =	vmul.f32 v23, v0;
	v23 =	vmul.f32 v8, v0;
	v21 =	vld [tilespmem:s5+$0x20]  }
0xc0: {  	v4 =	vmul.f32 v27, v0;
	v3 =	vmul.f32 v3, v0;
	v44 =	vld [tilespmem:s5+$0x1030]  }
0xc1: {  	v45 =	vmul.f32 v5, v1;
	v46 =	vmul.f32 v6, v1;
	v27 =	vld [tilespmem:s5+$0x2040]  }
0xc2: {  	v47 =	vmul.f32 v7, v1;
	v48 =	vmul.f32 v13, v1;
	v24 =	vld [tilespmem:s5+$0x10]  }
0xc3: {  	v5 =	vmul.f32 v28, v1;
	v6 =	vmul.f32 v29, v1;
	v49 =	vld [tilespmem:s5+$0x1020]  }
0xc4: {  	v29 =	vmul.f32 v30, v2;
	v30 =	vmul.f32 v31, v2;
	v28 =	vld [tilespmem:s5+$0x2030]  }
0xc5: {  	v32 =	vmul.f32 v32, v2;
	v33 =	vmul.f32 v33, v2;
	v31 =	vld [tilespmem:s5+$0x0]  }
0xc6: {  	v7 =	vmul.f32 v34, v2;
	v8 =	vmul.f32 v35, v2;
	v50 =	vld [tilespmem:s5+$0x1010]  }
0xc7: {  	v35 =	vmul.f32 v36, v15;
	v36 =	vmul.f32 v37, v15;
	v34 =	vld [tilespmem:s5+$0x2020]  }
0xc8: {  	v38 =	vmul.f32 v38, v15;
	v39 =	vmul.f32 v39, v15;
	v37 =	vld [tilespmem:s5+$0x3030]  }
0xc9: {  	v13 =	vmul.f32 v40, v15;
	v14 =	vmul.f32 v41, v15;
	v51 =	vld [tilespmem:s5+$0x4040]  }
0xca: {  	v41 =	vmul.f32 v42, v20;
	v42 =	vmul.f32 v43, v20;
	v40 =	vld [tilespmem:s5+$0x3040]  }
0xcb: {  	v44 =	vmul.f32 v44, v21;
	v27 =	vmul.f32 v27, v21;
	v43 =	vld [tilespmem:s5+$0x4050]  }
0xcc: {  	v49 =	vmul.f32 v49, v24;
	v28 =	vmul.f32 v28, v24;
	v52 =	vld [tilespmem:s5+$0x3050]  }
0xcd: {  	v50 =	vmul.f32 v50, v31;
	v34 =	vmul.f32 v34, v31;
	v53 =	vld [tilespmem:s5+$0x4060]  }
0xce: {  	v37 =	vmul.f32 v37, v31;
	v51 =	vmul.f32 v51, v31;
	v54 =	vld [tilespmem:s5+$0x3060]  }
0xcf: {  	v12 =	vadd.f32 v50, v12;
	v10 =	vadd.f32 v34, v10;
	v34 =	vmul.f32 v40, v24;
	v40 =	vld [tilespmem:s5+$0x4070]  }
0xd0: {  	v11 =	vadd.f32 v37, v11;
	v9 =	vadd.f32 v51, v9;
	v37 =	vmul.f32 v43, v24;
	v43 =	vld [tilespmem:s5+$0x5080]  }
0xd1: {  	v12 =	vadd.f32 v49, v12;
	v10 =	vadd.f32 v28, v10;
	v28 =	vmul.f32 v52, v21;
	v49 =	vld [tilespmem:s5+$0x6090]  }
0xd2: {  	v11 =	vadd.f32 v34, v11;
	v9 =	vadd.f32 v37, v9;
	v34 =	vmul.f32 v53, v21;
	v37 =	vld [tilespmem:s5+$0x5070]  }
0xd3: {  	v12 =	vadd.f32 v44, v12;
	v10 =	vadd.f32 v27, v10;
	v27 =	vld [tilespmem:s5+$0x6080];
	v44 =	vmul.f32 v54, v20  }
0xd4: {  	v11 =	vadd.f32 v28, v11;
	v50 =	vld [tilespmem:s5+$0x5060];
	v9 =	vadd.f32 v34, v9;
	v28 =	vmul.f32 v40, v20  }
0xd5: {  	v12 =	vadd.f32 v41, v12;
	v10 =	vadd.f32 v42, v10;
	v34 =	vld [tilespmem:s5+$0x6070];
	v40 =	vmul.f32 v43, v20  }
0xd6: {  	v11 =	vadd.f32 v44, v11;
	v41 =	vld [tilespmem:s5+$0x5050];
	v9 =	vadd.f32 v28, v9;
	v28 =	vmul.f32 v49, v20  }
0xd7: {  	v12 =	vadd.f32 v35, v12;
	v10 =	vadd.f32 v36, v10;
	v42 =	vld [tilespmem:s5+$0x6060];
	v37 =	vmul.f32 v37, v21  }
0xd8: {  	s7 =	sadd.s32 $0x2, s7;
	v11 =	vadd.f32 v38, v11;
	v35 =	vld [tilespmem:s5+$0x7070];
	v27 =	vmul.f32 v27, v21;
	v9 =	vadd.f32 v39, v9  }
0xd9: {  	p1 =	slt.u32 s7, $0x3E;
	v12 =	vadd.f32 v29, v12;
	v10 =	vadd.f32 v30, v10;
	v36 =	vld [tilespmem:s5+$0x8080];
	v38 =	vmul.f32 v50, v24  }
0xda: {  	v11 =	vadd.f32 v32, v11;
	v29 =	vmul.f32 v34, v24;
	v30 =	vld [tilespmem:s5+$0x7080];
	v9 =	vadd.f32 v33, v9  }
0xdb: {  	v12 =	vadd.f32 v45, v12;
	v10 =	vadd.f32 v46, v10;
	v32 =	vmul.f32 v41, v31;
	v33 =	vld [tilespmem:s5+$0x8090]  }
0xdc: {  	v11 =	vadd.f32 v47, v11;
	v34 =	vmul.f32 v42, v31;
	v39 =	vld [tilespmem:s5+$0x7090];
	v9 =	vadd.f32 v48, v9  }
0xdd: {  	v12 =	vadd.f32 v25, v12;
	v10 =	vadd.f32 v26, v10;
	v35 =	vmul.f32 v35, v31;
	v41 =	vld [tilespmem:s5+$0x80A0]  }
0xde: {  	v11 =	vadd.f32 v22, v11;
	v25 =	vmul.f32 v36, v31;
	v26 =	vld [tilespmem:s5+$0x70A0];
	v9 =	vadd.f32 v23, v9  }
0xdf: {  	v16 =	vadd.f32 v32, v16;
	v17 =	vadd.f32 v34, v17;
	v22 =	vmul.f32 v30, v24;
	v23 =	vld [tilespmem:s5+$0x80B0]  }
0xe0: {  	v18 =	vadd.f32 v35, v18;
	v19 =	vadd.f32 v25, v19;
	v24 =	vmul.f32 v33, v24;
	v25 =	vld [tilespmem:s5+$0x70B0]  }
0xe1: {  	v16 =	vadd.f32 v38, v16;
	v17 =	vadd.f32 v29, v17;
	v29 =	vmul.f32 v39, v21;
	v30 =	vld [tilespmem:s5+$0x80C0]  }
.Ltmp0:
0xe2: {  	v22 =	vadd.f32 v22, v18;
	v19 =	vadd.f32 v24, v19;
	v21 =	vmul.f32 v41, v21;
	v18 =	vld [tilespmem:s5+$0x70C0];
	(pc) =	sbr.rel @p1 .LBB2_1-.Ltmp0, $4  }
0xe3: {  	v24 =	vadd.f32 v37, v16;
	v27 =	vadd.f32 v27, v17;
	v26 =	vmul.f32 v26, v20;
	v17 =	vld [tilespmem:s5+$0x80D0]  }
0xe4: {  	v29 =	vadd.f32 v29, v22;
	v31 =	vadd.f32 v21, v19;
	v32 =	vmul.f32 v23, v20;
	v16 =	vld [tilespmem:s5+$0x70D0]  }
0xe5: {  	v21 =	vadd.f32 v40, v24;
	v22 =	vadd.f32 v28, v27;
	v20 =	vmul.f32 v25, v15;
	v19 =	vld [tilespmem:s5+$0x80E0]  }
0xe6: {  	s8 =	sadd.s32 $0x200, s8;
	v23 =	vadd.f32 v26, v29;
	v24 =	vadd.f32 v32, v31;
	v25 =	vmul.f32 v30, v15;
	v15 =	vld [tilespmem:s5+$0x70E0]  }
0xe7: {  	v26 =	vld [tilespmem:s5+$0x80F0]  }
0xe8: {  	v13 =	vadd.f32 v13, v21;
	v14 =	vadd.f32 v14, v22;
	v18 =	vmul.f32 v18, v2;
	v60 =	vld [tilespmem:$0x1000]  }
0xe9: {  	v62 =	vld [tilespmem:$0x2010];
	v20 =	vadd.f32 v20, v23;
	v61 =	vadd.f32 v25, v24;
	v2 =	vmul.f32 v17, v2  }
0xea: {  	v7 =	vadd.f32 v7, v13;
	v8 =	vadd.f32 v8, v14;
	v13 =	vmul.f32 v16, v1;
	v14 =	vld [tilespmem:$0x3020]  }
0xeb: {  	v23 =	vld [tilespmem:$0x4030];
	v63 =	vadd.f32 v18, v20;
	v2 =	vadd.f32 v2, v61;
	v1 =	vmul.f32 v19, v1  }
0xec: {  	vm0 =	vmmov $0x7f;
	v5 =	vadd.f32 v5, v7;
	v6 =	vadd.f32 v6, v8;
	v8 =	vld [tilespmem:$0x5040]  }
0xed: {  	v7 =	vmul.f32 v15, v0;
	v13 =	vadd.f32 v13, v63;
	v1 =	vadd.f32 v1, v2;
	v2 =	vld [tilespmem:$0x6050]  }
0xee: {  	v25 =	vld [tilespmem:$0x7060];
	v0 =	vmul.f32 v26, v0;
	v15 =	vnsel vm0, $0x0, v60;
	v24 =	vnsel vm0, $0x0, v62  }
0xef: {  	v26 =	vld [tilespmem:$0x8070];
	v4 =	vadd.f32 v4, v5;
	v5 =	vmul.f32 v24, v15;
	v14 =	vnsel vm0, $0x0, v14  }
0xf0: {  	v3 =	vadd.f32 v3, v6;
	v6 =	vmul.f32 v14, v15;
	v14 =	vnsel vm0, $0x0, v23  }
0xf1: {  	v5 =	vadd.f32 v5, v12;
	v12 =	vmul.f32 v14, v15;
	v8 =	vnsel vm0, $0x0, v8;
	v14 =	vld [tilespmem:$0x9080]  }
0xf2: {  	v6 =	vadd.f32 v6, v10;
	v8 =	vmul.f32 v8, v15;
	v2 =	vnsel vm0, $0x0, v2  }
0xf3: {  	(xrf2) =	vadd.scan.msk.f32 $0xffff, v5;
	v10 =	vadd.f32 v12, v11;
	v2 =	vmul.f32 v2, v15;
	v11 =	vnsel vm0, $0x0, v25  }
0xf4: {  	v5 =	vadd.f32 v8, v9;
	v8 =	vmul.f32 v11, v15;
	v9 =	vnsel vm0, $0x0, v26;
	(xrf2) =	vadd.scan.msk.f32 $0xffff, v6  }
0xf5: {  	v6 =	vadd.f32 v7, v13;
	v2 =	vadd.f32 v2, v4;
	v4 =	vmul.f32 v9, v15;
	(xrf2) =	vadd.scan.msk.f32 $0xffff, v10  }
0xf6: {  	v3 =	vadd.f32 v8, v3;
	v7 =	vnsel vm0, $0x0, v14;
	(xrf2) =	vadd.scan.msk.f32 $0xffff, v5  }
0xf7: {  	v0 =	vadd.f32 v0, v1;
	v1 =	vadd.f32 v4, v6;
	v4 =	vmul.f32 v7, v15;
	(xrf2) =	vadd.scan.msk.f32 $0xffff, v2  }
0xf8: {  	(xrf2) =	vadd.scan.msk.f32 $0xffff, v3  }
0xf9: {  	v0 =	vadd.f32 v4, v0  }
0xfa: {  	(xrf2) =	vadd.scan.msk.f32 $0xffff, v1  }
0xfb: {  	vm1 =	vmmov $0x1  }
0xfc: {  	vm2 =	vcmask $0x1B20;
	v27 =	vimm.s32 $0x87868584;
	v31 =	vimm.s32 $0xA3A2A1A0  }
0xfd: {  	v32 =	vimm.s32 $0xA7A6A5A4;
	v37 =	vimm.s32 $0xC3C2C1C0;
	v38 =	vimm.s32 $0xC7C6C5C4;
	(xrf2) =	vadd.scan.msk.f32 $0xffff, v0;
	v0, _, _ =	vpop (xrf2)  }
0xfe: {  	v42 =	vimm.s32 $0xF3F2F1F0;
	v46 =	vimm.s32 $0xE3E2E1E0;
	v1, _, _ =	vpop (xrf2);
	v0 =	vbroadcast v0, $0xF  }
0xff: {  	v34 =	vunpack.c.0.s8.s32 v32;
	v40 =	vunpack.c.0.s8.s32 v38;
	v2, _, _ =	vpop (xrf2);
	v1 =	vbroadcast v1, $0xF  }
0x100: {  	vm0 =	vcmask $0x320;
	v0 =	vnsel vm1, $0x0, v0;
	v2 =	vbroadcast v2, $0xF;
	v3, _, _ =	vpop (xrf2)  }
0x101: {  	v0 =	vsel vm0, v0, v1;
	vm0 =	vcmask $0x720;
	v1 =	vbroadcast v3, $0xF;
	v3, _, _ =	vpop (xrf2)  }
0x102: {  	v0 =	vsel vm0, v0, v2;
	vm0 =	vcmask $0xB20;
	v2 =	vbroadcast v3, $0xF;
	v3, _, _ =	vpop (xrf2)  }
0x103: {  	v11 =	vimm.s32 $0x47464544;
	v0 =	vsel vm0, v0, v1;
	v1 =	vbroadcast v3, $0xF  }
0x104: {  	v12 =	vimm.s32 $0x7;
	v11 =	vunpack.c.0.s8.s32 v11;
	vm0 =	vcmask $0xF20;
	v3, _, _ =	vpop (xrf2)  }
0x105: {  	v0 =	vsel vm0, v0, v2;
	vm0 =	vcmask $0x1320;
	v2 =	vbroadcast v3, $0xF  }
0x106: {  	v5 =	vimm.s32 $0x33323130;
	v0 =	vsel vm0, v0, v1;
	vm0 =	vcmask $0x1720  }
0x107: {  	v6 =	vimm.s32 $0x37363534;
	v2 =	vsel vm0, v0, v2;
	v0 =	vimm.s32 $0x13121110;
	v1, _, _ =	vpop (xrf2)  }
0x108: {  	vm0 =	vcmask $0x1F10;
	v3 =	vbroadcast v1, $0xF;
	v1 =	vimm.s32 $0x17161514  }
0x109: {  	v0 =	vunpack.c.0.s8.s32 v0;
	v4 =	vunpack.c.0.s8.s32 v1;
	v1 =	vimm.s32 $0x76543210  }
0x10a: {  	v7 =	vunpack.c.l.s4.s8 v1;
	v1 =	vunpack.c.0.s8.s32 v5;
	v5 =	vunpack.c.0.s8.s32 v6  }
0x10b: {  	v6 =	vsel vm2, v2, v3;
	v2 =	vimm.s32 $0x23222120;
	v8 =	vsel vm0, v4, v0  }
0x10c: {  	v3 =	vunpack.c.0.s8.s32 v2;
	v2 =	vimm.s32 $0x27262524;
	v4 =	vimm.s32 $0x53525150  }
0x10d: {  	v9 =	vunpack.c.0.s8.s32 v2;
	v2 =	vunpack.c.0.s8.s32 v4;
	v4 =	vimm.s32 $0x57565554  }
0x10e: {  	s7 =	simm.s32 $0x9690;
	s5 =	simm.s32 $0x2;
	[tilespmem:$0x9690] =	vst v6;
	v7 =	vunpack.c.0.s8.s32 v7;
	v10 =	vunpack.c.0.s8.s32 v4;
	v4 =	vimm.s32 $0x43424140  }
0x10f: {  	v5 =	vsel vm0, v5, v1;
	[spmem:s6] =	stream.linear.scatter [tilespmem:s7], [sflag:$0x2], $0x10, $0x38;
	v9 =	vsel vm0, v9, v3;
	v4 =	vunpack.c.0.s8.s32 v4;
	[tilespmem:$0x96C0] =	vst v63  }
0x110: {  	_ =	swait.ge [sflag:s5], $0x10;
	v13 =	vcombine.low v7, v8;
	v7 =	vimm.s32 $0x73727170;
	v8 =	vimm.s32 $0x77767574  }
0x111: {  	[sflag:s5] =	ssyncset.done $0x0;
	v14 =	vcombine.low v9, v5;
	v5 =	vsel vm0, v10, v2;
	v9 =	vunpack.c.0.s8.s32 v8  }
0x112: {  	v8 =	vimm.s32 $0x67666564;
	v10 =	vimm.s32 $0x93929190;
	[sflag:s5] =	ssyncadd.s32 $0xFFFFFFF0;
	v6 =	vsel vm0, v11, v4  }
0x113: {  	s13 =	simm.s32 $0x9090;
	v11 =	vunpack.c.0.s8.s32 v8;
	v8 =	vimm.s32 $0x97969594;
	[bflag:$0x0] =	sbarrier.arrive $0xFFFF;
	v15 =	vcombine.low v6, v5  }
0x114: {  	v5 =	vunpack.c.0.s8.s32 v7;
	v6 =	vimm.s32 $0x63626160;
	v28 =	vunpack.c.0.s8.s32 v8;
	[tilespmem:s13], [sflag:$0x2] =	stream.linear.gather [spmem:s4], $0x100, $0x38;
	[tilespmem:$0x96C0] =	vst v63  }
0x115: {  	v7 =	vunpack.c.0.s8.s32 v6;
	v6 =	vunpack.c.0.s8.s32 v10;
	v10 =	vimm.s32 $0x83828180;
	_ =	swait.ge [sflag:s5], $0x100  }
0x116: {  	v8 =	vunpack.c.0.s8.s32 v10;
	v10 =	vunpack.c.0.s8.s32 v27;
	v29 =	vsel vm0, v9, v5;
	[sflag:s5] =	ssyncset.done $0x0  }
0x117: {  	s14 =	simm.s32 $0x1000;
	v9 =	vimm.s32 $0xB3B2B1B0;
	v27 =	vimm.s32 $0xE7E6E5E4;
	v11 =	vsel vm0, v11, v7;
	[sflag:s5] =	ssyncadd.s32 $0xFFFFFF00  }
0x118: {  	v17 =	vsel vm0, v28, v6;
	v9 =	vunpack.c.0.s8.s32 v9;
	v47 =	vunpack.c.0.s8.s32 v27;
	v36 =	vld.idx.msk [tilespmem:v12+s14+$0x0], $0xffff  }
0x119: {  	v30 =	vsel vm0, v10, v8;
	v10 =	vimm.s32 $0xB7B6B5B4;
	v16 =	vcombine.low v11, v29;
	v39 =	vld.idx.msk [tilespmem:v13+s13+$0x0], $0xffff  }
0x11a: {  	v11 =	vimm.s32 $0xD3D2D1D0;
	v12 =	vimm.s32 $0xD7D6D5D4;
	v45 =	vld.idx.msk [tilespmem:v14+s13+$0x0], $0xffff;
	v14 =	vimm.s32 $0xF7F6F5F4  }
0x11b: {  	v41 =	vld [tilespmem:$0x9190];
	v33 =	vunpack.c.0.s8.s32 v10;
	v10 =	vunpack.c.0.s8.s32 v31;
	v17 =	vcombine.low v30, v17  }
0x11c: {  	v43 =	vld [tilespmem:$0x91A0];
	v11 =	vunpack.c.0.s8.s32 v11;
	v13 =	vunpack.c.0.s8.s32 v12;
	v12 =	vunpack.c.0.s8.s32 v37  }
0x11d: {  	v28 =	vunpack.c.0.s8.s32 v14;
	v35 =	vsel vm0, v33, v9;
	v19 =	vsel vm0, v34, v10  }
0x11e: {  	v48 =	vld [tilespmem:$0x91B0];
	v14 =	vunpack.c.0.s8.s32 v46;
	v17 =	vand.u32 $0xFF, v17;
	v18 =	vcombine.low v19, v35  }
0x11f: {  	v15 =	vld.idx.msk [tilespmem:v15+s13+$0x0], $0xffff;
	v44 =	vsel vm0, v13, v11;
	v21 =	vsel vm0, v40, v12;
	v13 =	vunpack.c.0.s8.s32 v42  }
0x120: {  	v51 =	vld [tilespmem:$0x91C0];
	v21 =	vcombine.low v21, v44;
	v22 =	vadd.f32 v41, v39;
	v18 =	vand.u32 $0xFF, v18  }
0x121: {  	v50 =	vsel vm0, v47, v14;
	v49 =	vsel vm0, v28, v13;
	v19 =	vadd.f32 v43, v45;
	v16 =	vld.idx.msk [tilespmem:v16+s13+$0x0], $0xffff  }
0x122: {  	v53 =	vld [tilespmem:$0x91D0];
	v21 =	vand.u32 $0xFF, v21;
	v23 =	vcombine.low v50, v49;
	v52 =	vmul.f32 v22, v36  }
0x123: {  	vm2 =	vge.f32 v22, $0.0e+00;
	v54 =	vmul.f32 v19, v36;
	v17 =	vld.idx.msk [tilespmem:v17+s13+$0x0], $0xffff  }
0x124: {  	v55 =	vld [tilespmem:$0x91E0];
	v15 =	vadd.f32 v48, v15;
	v23 =	vand.u32 $0xFF, v23;
	v22 =	vsel vm2, v22, v52  }
0x125: {  	vm2 =	vge.f32 v19, $0.0e+00;
	(xrf2) =	vadd.scan.msk.f32 $0xffff, v22;
	v18 =	vld.idx.msk [tilespmem:v18+s13+$0x0], $0xffff  }
0x126: {  	v57 =	vld [tilespmem:$0x91F0];
	v56 =	vmul.f32 v15, v36;
	v19 =	vsel vm2, v19, v54;
	v16 =	vadd.f32 v51, v16  }
0x127: {  	vm2 =	vge.f32 v15, $0.0e+00;
	v21 =	vld.idx.msk [tilespmem:v21+s13+$0x0], $0xffff;
	(xrf2) =	vadd.scan.msk.f32 $0xffff, v19  }
0x128: {  	v59 =	vld [tilespmem:$0x9200];
	v15 =	vsel vm2, v15, v56;
	v58 =	vmul.f32 v16, v36;
	v17 =	vadd.f32 v53, v17  }
0x129: {  	(xrf2) =	vadd.scan.msk.f32 $0xffff, v15;
	v23 =	vld.idx.msk [tilespmem:v23+s13+$0x0], $0xffff;
	vm2 =	vge.f32 v16, $0.0e+00  }
0x12a: {  	v16 =	vsel vm2, v16, v58;
	v60 =	vmul.f32 v17, v36;
	v18 =	vadd.f32 v55, v18  }
0x12b: {  	vm2 =	vge.f32 v17, $0.0e+00;
	(xrf2) =	vadd.scan.msk.f32 $0xffff, v16  }
0x12c: {  	v21 =	vadd.f32 v57, v21;
	v17 =	vsel vm2, v17, v60;
	v61 =	vmul.f32 v18, v36  }
0x12d: {  	(xrf2) =	vadd.scan.msk.f32 $0xffff, v17;
	vm2 =	vge.f32 v18, $0.0e+00  }
0x12e: {  	v62 =	vmul.f32 v21, v36;
	v23 =	vadd.f32 v59, v23;
	v18 =	vsel vm2, v18, v61  }
0x12f: {  	v63, _, _ =	vpop (xrf2);
	vm2 =	vge.f32 v21, $0.0e+00;
	(xrf2) =	vadd.scan.msk.f32 $0xffff, v18  }
0x130: {  	v20 =	vmul.f32 v23, v36;
	(v2sf) =	vpush v63, $0xF;
	v21 =	vsel vm2, v21, v62  }
0x131: {  	v28, _, _ =	vpop (xrf2);
	vm2 =	vge.f32 v23, $0.0e+00;
	(xrf2) =	vadd.scan.msk.f32 $0xffff, v21  }
0x132: {  	(v2sf) =	vpush v28, $0xF;
	v20 =	vsel vm2, v23, v20  }
0x133: {  	v29, _, _ =	vpop (xrf2);
	(xrf2) =	vadd.scan.msk.f32 $0xffff, v20  }
0x134: {  	(v2sf) =	vpush v29, $0xF  }
0x135: {  	v30, _, _ =	vpop (xrf2)  }
0x136: {  	(v2sf) =	vpush v30, $0xF  }
0x137: {  	v31, _, _ =	vpop (xrf2)  }
0x138: {  	(v2sf) =	vpush v31, $0xF  }
0x139: {  	v32, _, _ =	vpop (xrf2)  }
0x13a: {  	(v2sf) =	vpush v32, $0xF  }
0x13b: {  	v33, _, _ =	vpop (xrf2)  }
0x13c: {  	(v2sf) =	vpush v33, $0xF  }
0x13d: {  	v34, _, _ =	vpop (xrf2)  }
0x13e: {  	(v2sf) =	vpush v34, $0xF  }
0x13f: {  	s15 =	spop (v2sf)  }
0x140: {  	s4 =	sadd.f32 $0.0e+00, s15  }
0x141: {  	s16 =	spop (v2sf)  }
0x142: {  	s4 =	sadd.f32 s16, s4  }
0x143: {  	s17 =	spop (v2sf)  }
0x144: {  	s4 =	sadd.f32 s17, s4  }
0x145: {  	s18 =	spop (v2sf)  }
0x146: {  	s4 =	sadd.f32 s18, s4  }
0x147: {  	s19 =	spop (v2sf)  }
0x148: {  	s4 =	sadd.f32 s19, s4  }
0x149: {  	s20 =	spop (v2sf)  }
0x14a: {  	s4 =	sadd.f32 s20, s4  }
0x14b: {  	s21 =	spop (v2sf)  }
0x14c: {  	s4 =	sadd.f32 s21, s4  }
0x14d: {  	s22 =	spop (v2sf)  }
0x14e: {  	s4 =	sadd.f32 s22, s4;
	_ =	sdelay $0x1  }
0x14f: {  	s4 =	smul.f32 $7.812500000e-03, s4;
	_ =	sdelay $0x1  }
0x150: {  	v35 =	vmov s4  }
0x151: {  	v22 =	vsub.f32 v22, v35;
	_ =	sdelay $0x1  }
0x152: {  	v19 =	vsub.f32 v19, v35;
	v36 =	vmul.f32 v22, v22;
	_ =	sdelay $0x1  }
0x153: {  	v15 =	vsub.f32 v15, v35;
	v37 =	vmul.f32 v19, v19;
	(xrf2) =	vadd.scan.msk.f32 $0xffff, v36;
	_ =	sdelay $0x1  }
0x154: {  	v16 =	vsub.f32 v16, v35;
	v38 =	vmul.f32 v15, v15;
	(xrf2) =	vadd.scan.msk.f32 $0xffff, v37;
	_ =	sdelay $0x1  }
0x155: {  	v17 =	vsub.f32 v17, v35;
	v39 =	vmul.f32 v16, v16;
	(xrf2) =	vadd.scan.msk.f32 $0xffff, v38;
	_ =	sdelay $0x1  }
0x156: {  	v18 =	vsub.f32 v18, v35;
	v40 =	vmul.f32 v17, v17;
	(xrf2) =	vadd.scan.msk.f32 $0xffff, v39;
	_ =	sdelay $0x1  }
0x157: {  	v21 =	vsub.f32 v21, v35;
	v41 =	vmul.f32 v18, v18;
	(xrf2) =	vadd.scan.msk.f32 $0xffff, v40;
	_ =	sdelay $0x1  }
0x158: {  	v20 =	vsub.f32 v20, v35;
	v43 =	vmul.f32 v21, v21;
	v42, _, _ =	vpop (xrf2);
	(xrf2) =	vadd.scan.msk.f32 $0xffff, v41  }
0x159: {  	(v2sf) =	vpush v42, $0xF  }
0x15a: {  	v45 =	vmul.f32 v20, v20;
	v44, _, _ =	vpop (xrf2);
	(xrf2) =	vadd.scan.msk.f32 $0xffff, v43  }
0x15b: {  	(v2sf) =	vpush v44, $0xF  }
0x15c: {  	v46, _, _ =	vpop (xrf2);
	(xrf2) =	vadd.scan.msk.f32 $0xffff, v45  }
0x15d: {  	(v2sf) =	vpush v46, $0xF  }
0x15e: {  	v47, _, _ =	vpop (xrf2)  }
0x15f: {  	(v2sf) =	vpush v47, $0xF  }
0x160: {  	v48, _, _ =	vpop (xrf2)  }
0x161: {  	(v2sf) =	vpush v48, $0xF  }
0x162: {  	v49, _, _ =	vpop (xrf2)  }
0x163: {  	(v2sf) =	vpush v49, $0xF  }
0x164: {  	v50, _, _ =	vpop (xrf2)  }
0x165: {  	(v2sf) =	vpush v50, $0xF  }
0x166: {  	v51, _, _ =	vpop (xrf2)  }
0x167: {  	(v2sf) =	vpush v51, $0xF  }
0x168: {  	s23 =	spop (v2sf)  }
0x169: {  	s4 =	sadd.f32 $0.0e+00, s23  }
0x16a: {  	s24 =	spop (v2sf)  }
0x16b: {  	s4 =	sadd.f32 s4, s24  }
0x16c: {  	s25 =	spop (v2sf)  }
0x16d: {  	s4 =	sadd.f32 s4, s25  }
0x16e: {  	s26 =	spop (v2sf)  }
0x16f: {  	s4 =	sadd.f32 s4, s26  }
0x170: {  	s28 =	spop (v2sf)  }
0x171: {  	s4 =	sadd.f32 s4, s28  }
0x172: {  	s29 =	spop (v2sf)  }
0x173: {  	s4 =	sadd.f32 s4, s29  }
0x174: {  	s30 =	spop (v2sf)  }
0x175: {  	s4 =	sadd.f32 s4, s30  }
0x176: {  	s31 =	spop (v2sf)  }
0x177: {  	s4 =	sadd.f32 s4, s31;
	_ =	sdelay $0x1  }
0x178: {  	s4 =	smul.f32 $7.812500000e-03, s4;
	_ =	sdelay $0x1  }
0x179: {  	s4 =	sadd.f32 $9.999999740e-06, s4;
	_ =	sdelay $0x1  }
0x17a: {  	v52 =	vmov s4  }
0x17b: {  	v53 =	vshrl.u32 v52, $0x1;
	v23 =	vmul.f32 $5.000000000e-01, v52  }
0x17c: {  	v24 =	vsub.s32 $0x5F3759DF, v53  }
0x17d: {  	v54 =	vmul.f32 v24, v23;
	_ =	sdelay $0x1  }
0x17e: {  	v25 =	vmul.f32 v24, v54;
	_ =	sdelay $0x1  }
0x17f: {  	v25 =	vsub.f32 $1.500000000e+00, v25;
	_ =	sdelay $0x1  }
0x180: {  	v24 =	vmul.f32 v24, v25;
	_ =	sdelay $0x1  }
0x181: {  	v25 =	vmul.f32 v24, v23;
	_ =	sdelay $0x1  }
0x182: {  	v56 =	vld [tilespmem:$0x9290];
	v25 =	vmul.f32 v25, v24  }
0x183: {  	v58 =	vld [tilespmem:$0x9230]  }
0x184: {  	v55 =	vld [tilespmem:$0x9210];
	v25 =	vsub.f32 $1.500000000e+00, v25  }
0x185: {  	v57 =	vld [tilespmem:$0x9220]  }
0x186: {  	v60 =	vld [tilespmem:$0x9390];
	v24 =	vmul.f32 v25, v24  }
0x187: {  	v59 =	vld [tilespmem:$0x9270]  }
0x188: {  	v61 =	vld [tilespmem:$0x93A0];
	v31 =	vmul.f32 v24, v23  }
0x189: {  	v62 =	vld [tilespmem:$0x93C0]  }
0x18a: {  	v63 =	vld [tilespmem:$0x93D0];
	v31 =	vmul.f32 v31, v24  }
0x18b: {  	v29 =	vld [tilespmem:$0x92A0]  }
0x18c: {  	v30 =	vld [tilespmem:$0x92B0];
	v31 =	vsub.f32 $1.500000000e+00, v31  }
0x18d: {  	v32 =	vld [tilespmem:$0x9240]  }
0x18e: {  	v33 =	vld [tilespmem:$0x92C0];
	v24 =	vmul.f32 v31, v24  }
0x18f: {  	v34 =	vld [tilespmem:$0x9250]  }
0x190: {  	v35 =	vld [tilespmem:$0x92D0];
	v23 =	vmul.f32 v24, v23  }
0x191: {  	v36 =	vld [tilespmem:$0x9260]  }
0x192: {  	v37 =	vld [tilespmem:$0x92E0];
	v23 =	vmul.f32 v23, v24  }
0x193: {  	v38 =	vld [tilespmem:$0x92F0]  }
0x194: {  	v39 =	vld [tilespmem:$0x9280];
	v23 =	vsub.f32 $1.500000000e+00, v23  }
0x195: {  	v40 =	vld [tilespmem:$0x9300]  }
0x196: {  	v41 =	vld [tilespmem:$0x9310];
	v23 =	vmul.f32 v23, v24  }
0x197: {  	v42 =	vld [tilespmem:$0x9320]  }
0x198: {  	v43 =	vld [tilespmem:$0x9330];
	v22 =	vmul.f32 v23, v22;
	v19 =	vmul.f32 v23, v19  }
0x199: {  	v44 =	vld [tilespmem:$0x9340];
	v15 =	vmul.f32 v23, v15;
	v16 =	vmul.f32 v23, v16  }
0x19a: {  	v45 =	vld [tilespmem:$0x9360];
	v17 =	vmul.f32 v23, v17;
	v18 =	vmul.f32 v23, v18  }
0x19b: {  	v46 =	vld [tilespmem:$0x9370];
	v21 =	vmul.f32 v23, v21;
	v20 =	vmul.f32 v23, v20  }
0x19c: {  	v48 =	vld [tilespmem:$0x93B0];
	v22 =	vmul.f32 v22, v55;
	v19 =	vmul.f32 v19, v57  }
0x19d: {  	v49 =	vld [tilespmem:$0x93F0];
	v15 =	vmul.f32 v15, v58;
	v16 =	vmul.f32 v16, v32  }
0x19e: {  	v53 =	vld [tilespmem:$0x9410];
	v17 =	vmul.f32 v17, v34;
	v18 =	vmul.f32 v18, v36;
	v22 =	vadd.f32 v22, v56  }
0x19f: {  	v24 =	vld [tilespmem:$0x9350];
	v21 =	vmul.f32 v21, v59;
	v20 =	vmul.f32 v20, v39;
	v19 =	vadd.f32 v19, v29  }
0x1a0: {  	v55 =	vld [tilespmem:$0x9490];
	v15 =	vadd.f32 v15, v30;
	v41 =	vmul.f32 v22, v41;
	v26 =	vmul.f32 v22, v60  }
0x1a1: {  	v57 =	vld [tilespmem:$0x9420];
	v16 =	vadd.f32 v16, v33;
	v50 =	vmul.f32 v19, v42;
	v52 =	vmul.f32 v19, v61  }
0x1a2: {  	v59 =	vld [tilespmem:$0x94A0];
	v17 =	vadd.f32 v17, v35;
	v54 =	vmul.f32 v15, v43;
	v56 =	vmul.f32 v15, v48  }
0x1a3: {  	v30 =	vld [tilespmem:$0x93E0];
	v18 =	vadd.f32 v18, v37;
	v58 =	vmul.f32 v16, v44;
	v25 =	vmul.f32 v16, v62  }
0x1a4: {  	v21 =	vadd.f32 v21, v38;
	v38 =	vld [tilespmem:$0x94C0];
	v24 =	vmul.f32 v17, v24;
	v28 =	vmul.f32 v22, v53  }
0x1a5: {  	v20 =	vadd.f32 v20, v40;
	v60 =	vld [tilespmem:$0x9430];
	v62 =	vmul.f32 v17, v63;
	v40 =	vmul.f32 v18, v45  }
0x1a6: {  	v61 =	vld [tilespmem:$0x94B0];
	v46 =	vmul.f32 v21, v46;
	v49 =	vmul.f32 v21, v49  }
0x1a7: {  	v63 =	vld [tilespmem:$0x9440];
	v22 =	vmul.f32 v22, v55;
	v37 =	vmul.f32 v19, v57;
	v29 =	vadd.f32 $0.0e+00, v41  }
0x1a8: {  	v43 =	vld [tilespmem:$0x9460];
	v19 =	vmul.f32 v19, v59;
	v51 =	vadd.f32 $0.0e+00, v26;
	v28 =	vadd.f32 $0.0e+00, v28  }
0x1a9: {  	v48 =	vld [tilespmem:$0x94F0];
	v22 =	vadd.f32 $0.0e+00, v22;
	v42 =	vmul.f32 v18, v30;
	v29 =	vadd.f32 v29, v50  }
0x1aa: {  	v39 =	vld [tilespmem:$0x9450];
	v23 =	vadd.f32 v51, v52;
	v28 =	vadd.f32 v28, v37;
	v26 =	vmul.f32 v15, v60  }
0x1ab: {  	v41 =	vld [tilespmem:$0x94D0];
	v19 =	vadd.f32 v22, v19;
	v15 =	vmul.f32 v15, v61;
	v29 =	vadd.f32 v29, v54  }
0x1ac: {  	v44 =	vld [tilespmem:$0x94E0];
	v27 =	vmul.f32 v16, v63;
	v16 =	vmul.f32 v16, v38;
	v23 =	vadd.f32 v23, v56  }
0x1ad: {  	v47 =	vld [tilespmem:$0x9380];
	v52 =	vmul.f32 v18, v43;
	v26 =	vadd.f32 v28, v26;
	v29 =	vadd.f32 v29, v58  }
0x1ae: {  	v45 =	vld [tilespmem:$0x9470];
	v57 =	vmul.f32 v21, v48;
	v15 =	vadd.f32 v19, v15;
	v23 =	vadd.f32 v23, v25  }
0x1af: {  	v34 =	vld [tilespmem:$0x9400];
	v25 =	vmul.f32 v17, v39;
	v26 =	vadd.f32 v26, v27;
	v24 =	vadd.f32 v29, v24  }
0x1b0: {  	v50 =	vld [tilespmem:$0x9480];
	v17 =	vmul.f32 v17, v41;
	v15 =	vadd.f32 v15, v16;
	v23 =	vadd.f32 v23, v62  }
0x1b1: {  	v53 =	vld [tilespmem:$0x9500];
	v54 =	vmul.f32 v18, v44;
	v51 =	vadd.f32 v26, v25;
	v24 =	vadd.f32 v24, v40  }
0x1b2: {  	v56 =	vmul.f32 v20, v47;
	v15 =	vadd.f32 v15, v17;
	v22 =	vadd.f32 v23, v42  }
0x1b3: {  	v19 =	vmul.f32 v21, v45;
	v55 =	vadd.f32 v51, v52;
	v23 =	vadd.f32 v24, v46  }
0x1b4: {  	v58 =	vmul.f32 v20, v34;
	v15 =	vadd.f32 v15, v54;
	v16 =	vadd.f32 v22, v49  }
0x1b5: {  	v59 =	vmul.f32 v20, v50;
	v18 =	vadd.f32 v55, v19;
	v22 =	vadd.f32 v23, v56  }
0x1b6: {  	v60 =	vmul.f32 v20, v53;
	v15 =	vadd.f32 v15, v57;
	v16 =	vadd.f32 v16, v58  }
0x1b7: {  	v18 =	vadd.f32 v18, v59;
	(xrf2) =	vadd.scan.msk.f32 $0xffff, v22  }
0x1b8: {  	v15 =	vadd.f32 v15, v60;
	(xrf2) =	vadd.scan.msk.f32 $0xffff, v16  }
0x1b9: {  	(xrf2) =	vadd.scan.msk.f32 $0xffff, v18  }
0x1ba: {  	(xrf2) =	vadd.scan.msk.f32 $0xffff, v15;
	_ =	sdelay $0x6  }
0x1bb: {  	v15, _, _ =	vpop (xrf2)  }
0x1bc: {  	v16, _, _ =	vpop (xrf2);
	v15 =	vbroadcast v15, $0xF  }
0x1bd: {  	v61, _, _ =	vpop (xrf2);
	v16 =	vbroadcast v16, $0xF  }
0x1be: {  	v15 =	vnsel vm1, $0x0, v15;
	vm1 =	vcmask $0x310;
	v17 =	vbroadcast v61, $0xF;
	v62, _, _ =	vpop (xrf2)  }
0x1bf: {  	v15 =	vsel vm1, v15, v16;
	vm1 =	vcmask $0x710;
	v63 =	vbroadcast v62, $0xF  }
0x1c0: {  	v15 =	vsel vm1, v15, v17;
	vm1 =	vcmask $0xB10  }
0x1c1: {  	v15 =	vsel vm1, v15, v63  }
0x1c2: {  	[tilespmem:$0x9690] =	vst v15  }
0x1c3: {  	[spmem:s3] =	stream.linear.scatter [tilespmem:s7], [sflag:$0x2], $0x10, $0x38;
	[tilespmem:$0x96C0] =	vst v63  }
0x1c4: {  	_ =	swait.ge [sflag:s5], $0x10  }
0x1c5: {  	[sflag:s5] =	ssyncset.done $0x0  }
0x1c6: {  	[sflag:s5] =	ssyncadd.s32 $0xFFFFFFF0  }
0x1c7: {  	[bflag:$0x0] =	sbarrier.arrive $0xFFFF  }
0x1c8: {  	_ =	sfence.sel @p0 $0x180000  }
0x1c9: {  	[bflag:$0x0] =	sbarrier.arrive @p0 $0xFFFF  }
0x1ca: {  	_ =	strace @p0 $0x90000047  }
0x1cb: {  	[bflag:$0x2] =	sbarrier.arrive @p0 $0xFFFF  }
0x1cc: {  	_ =	shalt @p0  }
.LBB2_3:
0x1cd: {  	v15 =	vimm.s32 $0x3020100;
	s3 =	simm.s32 $0x9510  }
0x1ce: {  	v28 =	vsel vm0, v13, v14;
	v29 =	vsel vm0, v11, v12;
	v15 =	vunpack.c.0.s8.s32 v15;
	[tilespmem:s3], [sflag:$0x2] =	stream.linear.gather [spmem:s2], $0x100, $0x38;
	[tilespmem:$0x96C0] =	vst v63  }
0x1cf: {  	v1 =	vsel vm0, v1, v3;
	v25 =	vsel vm0, v5, v7;
	v3 =	vcombine.low v29, v28;
	_ =	swait.ge [sflag:s5], $0x100  }
0x1d0: {  	v2 =	vsel vm0, v2, v4;
	v26 =	vsel vm0, v9, v10;
	v0 =	vsel vm0, v0, v15;
	[sflag:s5] =	ssyncset.done $0x0  }
0x1d1: {  	v27 =	vsel vm0, v6, v8;
	v3 =	vand.u32 $0xFF, v3;
	v0 =	vcombine.low v0, v1;
	[sflag:s5] =	ssyncadd.s32 $0xFFFFFF00  }
0x1d2: {  	v1 =	vcombine.low v2, v25;
	v2 =	vcombine.low v27, v26;
	v30 =	vld [tilespmem:$0x9610]  }
0x1d3: {  	v31 =	vld [tilespmem:$0x9620]  }
0x1d4: {  	v32 =	vld [tilespmem:$0x9630];
	v2 =	vand.u32 $0xFF, v2  }
0x1d5: {  	v33 =	vld [tilespmem:$0x9640]  }
0x1d6: {  	v3 =	vld.idx.msk [tilespmem:v3+s3+$0x0], $0xffff  }
0x1d7: {  	v0 =	vld.idx.msk [tilespmem:v0+s3+$0x0], $0xffff  }
0x1d8: {  	v1 =	vld.idx.msk [tilespmem:v1+s3+$0x0], $0xffff  }
0x1d9: {  	v2 =	vld.idx.msk [tilespmem:v2+s3+$0x0], $0xffff;
	_ =	sdelay $0x3  }
0x1da: {  	v3 =	vadd.f32 v33, v3;
	v0 =	vadd.f32 v30, v0  }
0x1db: {  	v1 =	vadd.f32 v31, v1;
	v2 =	vadd.f32 v32, v2;
	_ =	sdelay $0x1  }
0x1dc: {  	v4 =	vmax.f32 v0, v1;
	v34 =	vmax.f32 v2, v3  }
0x1dd: {  	v4 =	vmax.f32 v4, v34  }
0x1de: {  	(xrf0) =	vmax.scan.msk.f32 $0xffff, v4;
	_ =	sdelay $0x5  }
0x1df: {  	v4, _, _ =	vpop (xrf0)  }
0x1e0: {  	v4 =	vbroadcast v4, $0xF  }
0x1e1: {  	v35 =	vmax.f32 v0, $-3.000000010e+38  }
0x1e2: {  	vm11 =	veq.f32 v0, v4;
	vm1 =	veq.f32 v1, v4;
	vm2 =	veq.f32 v2, v4  }
0x1e3: {  	vm3 =	veq.f32 v3, v4;
	v5 =	vsel vm11, $0xFF61B1E6, v35;
	v36 =	vsel vm1, $0xFF61B1E6, v1  }
0x1e4: {  	v38 =	vsub.f32 v0, v4;
	v37 =	vsel vm2, $0xFF61B1E6, v2;
	v5 =	vmax.f32 v5, v36  }
0x1e5: {  	v39 =	vsel vm3, $0xFF61B1E6, v3;
	v5 =	vmax.f32 v5, v37  }
0x1e6: {  	v41 =	vsub.f32 v1, v4;
	v40 =	vmul.f32 $1.442695020e+00, v38;
	v5 =	vmax.f32 v5, v39  }
0x1e7: {  	(xrf0) =	vmax.scan.msk.f32 $0xffff, v5  }
0x1e8: {  	v43 =	vsub.f32 v2, v4;
	v42 =	vmul.f32 $1.442695020e+00, v41;
	(erf) = vpow2.f32 v40  }
0x1e9: {  	v44 =	vmpcnt.ones.xlane vm11;
	v45 =	vmpcnt.ones.xlane vm1  }
0x1ea: {  	v47 =	vsub.f32 v3, v4;
	v46 =	vmul.f32 $1.442695020e+00, v43;
	(erf) = vpow2.f32 v42  }
0x1eb: {  	v48 =	vmpcnt.ones.xlane vm2;
	v49 =	vmpcnt.ones.xlane vm3  }
0x1ec: {  	v50 =	vmul.f32 $1.442695020e+00, v47;
	v7 =	vadd.s32 v44, v45;
	(erf) = vpow2.f32 v46  }
0x1ed: {  	v51 =	vadd.s32 v48, v7;
	v52, _, _ =	vpop (xrf0)  }
0x1ee: {  	v6 =	vadd.s32 v49, v51;
	(erf) = vpow2.f32 v50;
	v7 =	vbroadcast v52, $0xF  }
0x1ef: {  	vm12 =	vgt.s32 v6, $0x1  }
0x1f0: {  	v4 =	vsel vm12, v4, v7  }
0x1f1: {  	v53 =	vpop (erf);
	vm0 =	vge.f32 v0, v4  }
0x1f2: {  	v0 =	vnsel vm0, $0x0, v53  }
0x1f3: {  	v54 =	vpop (erf);
	vm13 =	vge.f32 v1, v4;
	(xrf2) =	vadd.scan.msk.f32 $0xffff, v0  }
0x1f4: {  	v1 =	vnsel vm13, $0x0, v54  }
0x1f5: {  	v55 =	vpop (erf);
	vm14 =	vge.f32 v2, v4;
	(xrf2) =	vadd.scan.msk.f32 $0xffff, v1  }
0x1f6: {  	v2 =	vnsel vm14, $0x0, v55  }
0x1f7: {  	vm15 =	vge.f32 v3, v4;
	v56 =	vpop (erf);
	(xrf2) =	vadd.scan.msk.f32 $0xffff, v2  }
0x1f8: {  	v3 =	vnsel vm15, $0x0, v56  }
0x1f9: {  	(xrf2) =	vadd.scan.msk.f32 $0xffff, v3;
	_ =	sdelay $0x3  }
0x1fa: {  	v57, _, _ =	vpop (xrf2)  }
0x1fb: {  	(v2sf) =	vpush v57, $0xF  }
0x1fc: {  	v58, _, _ =	vpop (xrf2)  }
0x1fd: {  	(v2sf) =	vpush v58, $0xF  }
0x1fe: {  	v59, _, _ =	vpop (xrf2)  }
0x1ff: {  	(v2sf) =	vpush v59, $0xF  }
0x200: {  	v60, _, _ =	vpop (xrf2)  }
0x201: {  	(v2sf) =	vpush v60, $0xF;
	_ =	sdelay $0x8  }
0x202: {  	s25 =	spop (v2sf)  }
0x203: {  	s2 =	sadd.f32 $0.0e+00, s25  }
0x204: {  	s26 =	spop (v2sf)  }
0x205: {  	s2 =	sadd.f32 s2, s26  }
0x206: {  	s28 =	spop (v2sf)  }
0x207: {  	s2 =	sadd.f32 s2, s28  }
0x208: {  	s29 =	spop (v2sf)  }
0x209: {  	s2 =	sadd.f32 s2, s29;
	_ =	sdelay $0x1  }
0x20a: {  	v61 =	vmov s2  }
0x20b: {  	(erf) = vrcp.f32 v61;
	_ =	sdelay $0x8  }
0x20c: {  	v4 =	vpop (erf)  }
0x20d: {  	v0 =	vmul.f32 v4, v0  }
0x20e: {  	v1 =	vmul.f32 v4, v1  }
0x20f: {  	v62 =	vmul.f32 v4, v2;
	[tilespmem:$0x9650] =	vst v0  }
0x210: {  	v63 =	vmul.f32 v4, v3;
	[tilespmem:$0x9660] =	vst v1  }
0x211: {  	[tilespmem:$0x9670] =	vst v62  }
0x212: {  	s30 =	simm.s32 $0x0;
	s31 =	simm.s32 $0x9650;
	[tilespmem:$0x9680] =	vst v63  }
0x213: {  	[hbm4b:s1+s30] =	stream.linear.scatter [tilespmem:s31], [sflag:$0x2], $0x40, $0x38;
	[tilespmem:$0x96C0] =	vst v63  }
0x214: {  	_ =	swait.ge [sflag:s5], $0x40  }
0x215: {  	[sflag:s5] =	ssyncset.done $0x0  }
0x216: {  	[sflag:s5] =	ssyncadd.s32 $0xFFFFFFC0  }
0x217: {  	_ =	sfence.sel $0x180000  }
0x218: {  	[bflag:$0x0] =	sbarrier.arrive $0xFFFF  }
0x219: {  	_ =	strace $0x90000047  }
0x21a: {  	s0 =	sadd.s32 $0x100000, s0;
	[bflag:$0x2] =	sbarrier.arrive $0xFFFF  }
0x21b: {  	[sflag:s0] =	ssyncadd.tile.s32 $0x1;
	_ =	shalt  }
.Lfunc_end2:
_tile_overlayer_lowered:
.L_overlay_start_2:
0x21c: {  	(tag) =	ssettag $0x2  }
0x21d: {  	s0 =	rddreg [dreg:$0x0];
	s2 =	stileid.u32  }
0x21e: {  	s1 =	rddreg [dreg:$0x1];
	p0 =	sne.s32 s2, $0x0  }
0x21f: {  	s3 =	rddreg [dreg:$0x2];
	[bflag:$0x3] =	sbarrier.arrive $0xFFFF;
	s2 =	simm.s32 @!p0 $0x1C02  }
0x220: {  	[timem:s3], [sflag:s2] =	dma.local @!p0 [hbm:s0], s1  }
0x221: {  	s0 =	simm.s32 @!p0 $0x2  }
0x222: {  	_ =	swait.ge @!p0 [sflag:s0], s1  }
0x223: {  	s1 =	ssub.s32 @!p0 $0x0, s1;
	[sflag:s0] =	ssyncset.done @!p0 $0x0  }
0x224: {  	[sflag:s0] =	ssyncadd.s32 @!p0 s1  }
0x225: {  	[bflag:$0x3] =	sbarrier.arrive $0xFFFF  }
0x226: {  	_ =	shalt  }

</sc_bundles>
